<compile_context>
chip_gen: v7x
topology: tpu7x:2x2x1
jax: 0.10.2.dev20260603
libtpu: 0.0.44.dev20260713+nightly
codegen_flags: <defaults>
</compile_context>

<pallas_src>
import functools

import jax
import jax.numpy as jnp
from jax import lax
from jax.experimental import pallas as pl
from jax.experimental.pallas import tpu as pltpu
from jax.experimental.pallas import tpu_sc as plsc

N_BOXES = 16384
FEATS = 128
TABLE_ROWS = 50
TABLE_STRIDE = 56
GATHER_ROWS = N_BOXES * 4
NUM_WORKERS = 32
ROWS_PER_W = GATHER_ROWS // NUM_WORKERS
BOXES_PER_W = ROWS_PER_W // 4
DMA_ROWS = 128
CHUNK = 256
DMA_PER_CHUNK = CHUNK // DMA_ROWS
N_CHUNK = ROWS_PER_W // CHUNK
NBUF = 3
IDX_ROWS = GATHER_ROWS // DMA_ROWS
IDX_ROWS_PER_W = IDX_ROWS // NUM_WORKERS


def kernel(scale, boxes, row_w, col_w, hei_w, wid_w):
    mesh = plsc.VectorSubcoreMesh(core_axis_name="c", subcore_axis_name="s")

    @functools.partial(
        pl.kernel,
        mesh=mesh,
        out_type=jax.ShapeDtypeStruct((N_BOXES, 4 * FEATS), jnp.float32),
        scratch_types=[
            pltpu.VMEM((IDX_ROWS_PER_W, DMA_ROWS), jnp.int32),
            pltpu.VMEM((NBUF, CHUNK, FEATS), jnp.float32),
            pltpu.VMEM_SHARED((4 * TABLE_STRIDE, FEATS), jnp.float32),
            pltpu.SemaphoreType.DMA,
            pltpu.SemaphoreType.DMA,
        ],
    )
    def k(idx_hbm, cw_hbm, rw_hbm, ww_hbm, hw_hbm, out_hbm,
          idx_v, rows_v, table_s, sem_g, sem_o):
        wid = lax.axis_index("s") * 2 + lax.axis_index("c")
        out_base = pl.multiple_of(wid * BOXES_PER_W, 8)
        tab_cps = []
        @pl.when(lax.axis_index("s") == 0)
        def _():
            for j, t in enumerate((cw_hbm, rw_hbm, ww_hbm, hw_hbm)):
                tab_cps.append(pltpu.async_copy(
                    t, table_s.at[pl.ds(j * TABLE_STRIDE, TABLE_ROWS)],
                    sem_g))
        pltpu.sync_copy(
            idx_hbm.at[pl.ds(wid * IDX_ROWS_PER_W, IDX_ROWS_PER_W)], idx_v)
        @pl.when(lax.axis_index("s") == 0)
        def _():
            for cp in tab_cps:
                cp.wait()
        plsc.subcore_barrier()

        def fire_gathers(c):
            return [pltpu.async_copy(
                table_s.at[idx_v.at[c * DMA_PER_CHUNK + j]],
                rows_v.at[c % NBUF, pl.ds(j * DMA_ROWS, DMA_ROWS)],
                sem_g) for j in range(DMA_PER_CHUNK)]

        out_cps = {}
        g_cps = fire_gathers(0)
        for c in range(N_CHUNK):
            if c + 1 < N_CHUNK:
                if c + 1 >= NBUF:
                    out_cps.pop(c + 1 - NBUF).wait()
                next_g = fire_gathers(c + 1)
            else:
                next_g = None
            for cp in g_cps:
                cp.wait()
            out_cps[c] = pltpu.async_copy(
                rows_v.at[c % NBUF].reshape(CHUNK // 4, 4 * FEATS),
                out_hbm.at[pl.ds(out_base + c * (CHUNK // 4), CHUNK // 4)],
                sem_o)
            g_cps = next_g
        for c in sorted(out_cps):
            out_cps[c].wait()

    b128 = boxes.reshape(IDX_ROWS, DMA_ROWS)
    s128 = jnp.tile(scale, DMA_ROWS // 2)[None, :]
    o128 = ((jnp.arange(DMA_ROWS, dtype=jnp.int32) % 4)
            * TABLE_STRIDE)[None, :]
    idx = (b128 * s128).astype(jnp.int32) + o128
    return k(idx, col_w, row_w, wid_w, hei_w)

# --- scband reference (transcript-rebuilt; emitter-appended) ---
"""Pipeline reference for scband-box-embedding-learned-40690520163086 (READ-ONLY COPY).

The authoritative reference and input builder live on the scoring server;
editing this copy changes nothing except your own understanding.
"""

import jax, jax.numpy as jnp
import numpy as np

NUM_POSITIONS = 50
NUM_POS_FEATS = 128
N_BOXES = 16384

def setup_inputs(seed: int = 0) -> dict:
    key = jax.random.key(seed)
    k_boxes, k_row, k_col, k_hei, k_wid = jax.random.split(key, 5)
    # boxes hold (pre-scale) coordinates; fill=randint in [0, 50) cast to float32
    boxes = jax.random.randint(k_boxes, (N_BOXES, 4), 0, NUM_POSITIONS).astype(jnp.float32)
    # scale = (scale_x, scale_y) = (1.0, 1.0) so scaled indices stay in [0, num_positions)
    scale = jnp.ones((2,), dtype=jnp.float32)
    # learned embedding tables, uniform-initialized per reset_parameters()
    row_w = jax.random.uniform(k_row, (NUM_POSITIONS, NUM_POS_FEATS), dtype=jnp.float32)
    col_w = jax.random.uniform(k_col, (NUM_POSITIONS, NUM_POS_FEATS), dtype=jnp.float32)
    hei_w = jax.random.uniform(k_hei, (NUM_POSITIONS, NUM_POS_FEATS), dtype=jnp.float32)
    wid_w = jax.random.uniform(k_wid, (NUM_POSITIONS, NUM_POS_FEATS), dtype=jnp.float32)
    return {"scale": scale, "boxes": boxes, "row_w": row_w, "col_w": col_w, "hei_w": hei_w, "wid_w": wid_w}

def reference(scale, boxes, row_w, col_w, hei_w, wid_w):
    # boxes[:, 0::2] *= scale_x ; boxes[:, 1::2] *= scale_y
    b = boxes
    b = b.at[:, 0::2].set(b[:, 0::2] * scale[0])
    b = b.at[:, 1::2].set(b[:, 1::2] * scale[1])
    bi = b.astype(jnp.int32)  # boxes.long()
    x_emb = jnp.take(col_w, bi[:, 0], axis=0)
    y_emb = jnp.take(row_w, bi[:, 1], axis=0)
    w_emb = jnp.take(wid_w, bi[:, 2], axis=0)
    h_emb = jnp.take(hei_w, bi[:, 3], axis=0)
    return jnp.concatenate([x_emb, y_emb, w_emb, h_emb], axis=-1)

if __name__ == "__main__":
    import jax
    _d = setup_inputs()
    print(jax.jit(kernel)(*tuple(_d.values())))

</pallas_src>

<mosaic_0001>
#map = affine_map<(d0, d1) -> (0, 0)>
module attributes {stable_mosaic.version = 14 : i64} {
  func.func @k(%arg0: i32, %arg1: i32, %arg2: memref<512x128xi32, #tpu.memory_space<hbm>>, %arg3: memref<50x128xf32, #tpu.memory_space<hbm>>, %arg4: memref<50x128xf32, #tpu.memory_space<hbm>>, %arg5: memref<50x128xf32, #tpu.memory_space<hbm>>, %arg6: memref<50x128xf32, #tpu.memory_space<hbm>>, %arg7: memref<16384x512xf32, #tpu.memory_space<hbm>>, %arg8: memref<16x128xi32, #tpu.memory_space<vmem>>, %arg9: memref<3x256x128xf32, #tpu.memory_space<vmem>>, %arg10: memref<224x128xf32, #tpu.memory_space<vmem_shared>>, %arg11: memref<!tpu.dma_semaphore, #tpu.memory_space<semaphore_mem>>, %arg12: memref<!tpu.dma_semaphore, #tpu.memory_space<semaphore_mem>>) attributes {dimension_semantics = [#tpu.dimension_semantics<core_parallel>, #tpu.dimension_semantics<subcore_parallel>], iteration_bounds = array<i64: 2, 16>, scalar_prefetch = 0 : i64, scratch_operands = 5 : i64, tpu.core_type = #tpu.core_type<sc_vector_subcore>, window_params = [{transform_indices = #map}, {transform_indices = #map}, {transform_indices = #map}, {transform_indices = #map}, {transform_indices = #map}, {transform_indices = #map}]} {
    %mul3A = arith.constant 2 : i32
    %mul3A_0 = arith.muli %arg1, %mul3A : i32
    %add3A = arith.addi %mul3A_0, %arg0 : i32
    %mul3A_1 = arith.constant 512 : i32
    %mul3A_2 = arith.muli %add3A, %mul3A_1 : i32
    %multiple_of3A = tpu.assume_multiple %mul3A_2, 8 : i32
    %eq3A = arith.constant 0 : i32
    %eq3A_3 = arith.cmpi eq, %arg1, %eq3A : i32
    %convert_element_type3A = arith.extui %eq3A_3 : i1 to i32
    %cond3A = arith.constant 0 : i32
    %cond3A_4 = arith.cmpi ne, %convert_element_type3A, %cond3A : i32
    scf.if %cond3A_4 {
      %dma_start3A_650 = arith.constant 0 : i32
      %dma_start3A_651 = arith.constant 0 : i32
      %dma_start3A_652 = tpu.memref_slice %arg10[%dma_start3A_650, %dma_start3A_651] : memref<224x128xf32, #tpu.memory_space<vmem_shared>> -> memref<50x128xf32, #tpu.memory_space<vmem_shared>>
      tpu.enqueue_dma source(%arg3 : memref<50x128xf32, #tpu.memory_space<hbm>>) target(%dma_start3A_652 : memref<50x128xf32, #tpu.memory_space<vmem_shared>>) target_semaphore(%arg11 : memref<!tpu.dma_semaphore, #tpu.memory_space<semaphore_mem>>)
      %dma_start3A_653 = arith.constant 56 : i32
      %dma_start3A_654 = arith.constant 0 : i32
      %dma_start3A_655 = tpu.memref_slice %arg10[%dma_start3A_653, %dma_start3A_654] : memref<224x128xf32, #tpu.memory_space<vmem_shared>> -> memref<50x128xf32, #tpu.memory_space<vmem_shared>>
      tpu.enqueue_dma source(%arg4 : memref<50x128xf32, #tpu.memory_space<hbm>>) target(%dma_start3A_655 : memref<50x128xf32, #tpu.memory_space<vmem_shared>>) target_semaphore(%arg11 : memref<!tpu.dma_semaphore, #tpu.memory_space<semaphore_mem>>)
      %dma_start3A_656 = arith.constant 112 : i32
      %dma_start3A_657 = arith.constant 0 : i32
      %dma_start3A_658 = tpu.memref_slice %arg10[%dma_start3A_656, %dma_start3A_657] : memref<224x128xf32, #tpu.memory_space<vmem_shared>> -> memref<50x128xf32, #tpu.memory_space<vmem_shared>>
      tpu.enqueue_dma source(%arg5 : memref<50x128xf32, #tpu.memory_space<hbm>>) target(%dma_start3A_658 : memref<50x128xf32, #tpu.memory_space<vmem_shared>>) target_semaphore(%arg11 : memref<!tpu.dma_semaphore, #tpu.memory_space<semaphore_mem>>)
      %dma_start3A_659 = arith.constant 168 : i32
      %dma_start3A_660 = arith.constant 0 : i32
      %dma_start3A_661 = tpu.memref_slice %arg10[%dma_start3A_659, %dma_start3A_660] : memref<224x128xf32, #tpu.memory_space<vmem_shared>> -> memref<50x128xf32, #tpu.memory_space<vmem_shared>>
      tpu.enqueue_dma source(%arg6 : memref<50x128xf32, #tpu.memory_space<hbm>>) target(%dma_start3A_661 : memref<50x128xf32, #tpu.memory_space<vmem_shared>>) target_semaphore(%arg11 : memref<!tpu.dma_semaphore, #tpu.memory_space<semaphore_mem>>)
    } else {
    }
    %mul3A_5 = arith.constant 16 : i32
    %mul3A_6 = arith.muli %add3A, %mul3A_5 : i32
    "tpu.region"() ({
      %run_scoped3A = tpu.sem_alloc : memref<!tpu.dma_semaphore, #tpu.memory_space<semaphore_mem>>
      %dma_start3A_650 = arith.constant 0 : i32
      %dma_start3A_651 = tpu.memref_slice %arg2[%mul3A_6, %dma_start3A_650] : memref<512x128xi32, #tpu.memory_space<hbm>> -> memref<16x128xi32, #tpu.memory_space<hbm>>
      %dma_start3A_652 = arith.constant 0 : i32
      %dma_start3A_653 = tpu.memref_slice %arg2[%mul3A_6, %dma_start3A_652] : memref<512x128xi32, #tpu.memory_space<hbm>> -> memref<16x128xi32, #tpu.memory_space<hbm>>
      tpu.enqueue_dma source(%dma_start3A_653 : memref<16x128xi32, #tpu.memory_space<hbm>>) target(%arg8 : memref<16x128xi32, #tpu.memory_space<vmem>>) target_semaphore(%run_scoped3A : memref<!tpu.dma_semaphore, #tpu.memory_space<semaphore_mem>>)
      %dma_wait3A_654 = arith.constant 0 : i32
      %dma_wait3A_655 = tpu.memref_slice %arg2[%mul3A_6, %dma_wait3A_654] : memref<512x128xi32, #tpu.memory_space<hbm>> -> memref<16x128xi32, #tpu.memory_space<hbm>>
      %dma_wait3A_656 = arith.constant 0 : i32
      %dma_wait3A_657 = tpu.memref_slice %arg2[%mul3A_6, %dma_wait3A_656] : memref<512x128xi32, #tpu.memory_space<hbm>> -> memref<16x128xi32, #tpu.memory_space<hbm>>
      tpu.wait_dma2 semaphore(%run_scoped3A : memref<!tpu.dma_semaphore, #tpu.memory_space<semaphore_mem>>) src(%dma_wait3A_657 : memref<16x128xi32, #tpu.memory_space<hbm>>) dst(%arg8 : memref<16x128xi32, #tpu.memory_space<vmem>>)
      tpu.yield
    }) : () -> ()
    %eq3A_7 = arith.constant 0 : i32
    %eq3A_8 = arith.cmpi eq, %arg1, %eq3A_7 : i32
    %convert_element_type3A_9 = arith.extui %eq3A_8 : i1 to i32
    %cond3A_10 = arith.constant 0 : i32
    %cond3A_11 = arith.cmpi ne, %convert_element_type3A_9, %cond3A_10 : i32
    scf.if %cond3A_11 {
      %dma_wait3A_650 = arith.constant 0 : i32
      %dma_wait3A_651 = arith.constant 0 : i32
      %dma_wait3A_652 = tpu.memref_slice %arg10[%dma_wait3A_650, %dma_wait3A_651] : memref<224x128xf32, #tpu.memory_space<vmem_shared>> -> memref<50x128xf32, #tpu.memory_space<vmem_shared>>
      tpu.wait_dma2 semaphore(%arg11 : memref<!tpu.dma_semaphore, #tpu.memory_space<semaphore_mem>>) src(%arg3 : memref<50x128xf32, #tpu.memory_space<hbm>>) dst(%dma_wait3A_652 : memref<50x128xf32, #tpu.memory_space<vmem_shared>>)
      %dma_wait3A_653 = arith.constant 56 : i32
      %dma_wait3A_654 = arith.constant 0 : i32
      %dma_wait3A_655 = tpu.memref_slice %arg10[%dma_wait3A_653, %dma_wait3A_654] : memref<224x128xf32, #tpu.memory_space<vmem_shared>> -> memref<50x128xf32, #tpu.memory_space<vmem_shared>>
      tpu.wait_dma2 semaphore(%arg11 : memref<!tpu.dma_semaphore, #tpu.memory_space<semaphore_mem>>) src(%arg4 : memref<50x128xf32, #tpu.memory_space<hbm>>) dst(%dma_wait3A_655 : memref<50x128xf32, #tpu.memory_space<vmem_shared>>)
      %dma_wait3A_656 = arith.constant 112 : i32
      %dma_wait3A_657 = arith.constant 0 : i32
      %dma_wait3A_658 = tpu.memref_slice %arg10[%dma_wait3A_656, %dma_wait3A_657] : memref<224x128xf32, #tpu.memory_space<vmem_shared>> -> memref<50x128xf32, #tpu.memory_space<vmem_shared>>
      tpu.wait_dma2 semaphore(%arg11 : memref<!tpu.dma_semaphore, #tpu.memory_space<semaphore_mem>>) src(%arg5 : memref<50x128xf32, #tpu.memory_space<hbm>>) dst(%dma_wait3A_658 : memref<50x128xf32, #tpu.memory_space<vmem_shared>>)
      %dma_wait3A_659 = arith.constant 168 : i32
      %dma_wait3A_660 = arith.constant 0 : i32
      %dma_wait3A_661 = tpu.memref_slice %arg10[%dma_wait3A_659, %dma_wait3A_660] : memref<224x128xf32, #tpu.memory_space<vmem_shared>> -> memref<50x128xf32, #tpu.memory_space<vmem_shared>>
      tpu.wait_dma2 semaphore(%arg11 : memref<!tpu.dma_semaphore, #tpu.memory_space<semaphore_mem>>) src(%arg6 : memref<50x128xf32, #tpu.memory_space<hbm>>) dst(%dma_wait3A_661 : memref<50x128xf32, #tpu.memory_space<vmem_shared>>)
    } else {
    }
    %barrier3A = arith.constant 0 : index
    tpu.barrier barrier_id(%barrier3A)
    %dma_start3A = arith.constant 0 : i32
    %dma_start3A_12 = arith.constant 0 : i32
    %dma_start3A_13 = arith.constant 0 : i32
    %dma_start3A_14 = arith.constant 0 : i32
    %dma_start3A_15 = tpu.memref_slice %arg9[%dma_start3A_12, %dma_start3A_13, %dma_start3A_14] : memref<3x256x128xf32, #tpu.memory_space<vmem>> -> memref<1x128x128xf32, #tpu.memory_space<vmem>>
    %dma_start3A_16 = tpu.memref_squeeze %dma_start3A_15 : memref<1x128x128xf32, #tpu.memory_space<vmem>> -> memref<128x128xf32, #tpu.memory_space<vmem>>
    %dma_start3A_17 = arith.constant 0 : i32
    %dma_start3A_18 = tpu.memref_slice %arg8[%dma_start3A, %dma_start3A_17] : memref<16x128xi32, #tpu.memory_space<vmem>> -> memref<1x128xi32, #tpu.memory_space<vmem>>
    %dma_start3A_19 = tpu.memref_squeeze %dma_start3A_18 : memref<1x128xi32, #tpu.memory_space<vmem>> -> memref<128xi32, #tpu.memory_space<vmem>>
    %dma_start3A_20 = arith.constant 0 : i32
    %dma_start3A_21 = arith.constant 0 : i32
    %dma_start3A_22 = tpu.memref_slice %arg10[%dma_start3A_20, %dma_start3A_21] : memref<224x128xf32, #tpu.memory_space<vmem_shared>> -> memref<224x128xf32, #tpu.memory_space<vmem_shared>>
    tpu.enqueue_indirect_dma source(%dma_start3A_22 : memref<224x128xf32, #tpu.memory_space<vmem_shared>>) target(%dma_start3A_16 : memref<128x128xf32, #tpu.memory_space<vmem>>) offsets(%dma_start3A_19 : memref<128xi32, #tpu.memory_space<vmem>>) semaphore(%arg11 : memref<!tpu.dma_semaphore, #tpu.memory_space<semaphore_mem>>)
    %dma_start3A_23 = arith.constant 1 : i32
    %dma_start3A_24 = arith.constant 0 : i32
    %dma_start3A_25 = arith.constant 128 : i32
    %dma_start3A_26 = arith.constant 0 : i32
    %dma_start3A_27 = tpu.memref_slice %arg9[%dma_start3A_24, %dma_start3A_25, %dma_start3A_26] : memref<3x256x128xf32, #tpu.memory_space<vmem>> -> memref<1x128x128xf32, #tpu.memory_space<vmem>>
    %dma_start3A_28 = tpu.memref_squeeze %dma_start3A_27 : memref<1x128x128xf32, #tpu.memory_space<vmem>> -> memref<128x128xf32, #tpu.memory_space<vmem>>
    %dma_start3A_29 = arith.constant 0 : i32
    %dma_start3A_30 = tpu.memref_slice %arg8[%dma_start3A_23, %dma_start3A_29] : memref<16x128xi32, #tpu.memory_space<vmem>> -> memref<1x128xi32, #tpu.memory_space<vmem>>
    %dma_start3A_31 = tpu.memref_squeeze %dma_start3A_30 : memref<1x128xi32, #tpu.memory_space<vmem>> -> memref<128xi32, #tpu.memory_space<vmem>>
    %dma_start3A_32 = arith.constant 0 : i32
    %dma_start3A_33 = arith.constant 0 : i32
    %dma_start3A_34 = tpu.memref_slice %arg10[%dma_start3A_32, %dma_start3A_33] : memref<224x128xf32, #tpu.memory_space<vmem_shared>> -> memref<224x128xf32, #tpu.memory_space<vmem_shared>>
    tpu.enqueue_indirect_dma source(%dma_start3A_34 : memref<224x128xf32, #tpu.memory_space<vmem_shared>>) target(%dma_start3A_28 : memref<128x128xf32, #tpu.memory_space<vmem>>) offsets(%dma_start3A_31 : memref<128xi32, #tpu.memory_space<vmem>>) semaphore(%arg11 : memref<!tpu.dma_semaphore, #tpu.memory_space<semaphore_mem>>)
    %dma_start3A_35 = arith.constant 2 : i32
    %dma_start3A_36 = arith.constant 1 : i32
    %dma_start3A_37 = arith.constant 0 : i32
    %dma_start3A_38 = arith.constant 0 : i32
    %dma_start3A_39 = tpu.memref_slice %arg9[%dma_start3A_36, %dma_start3A_37, %dma_start3A_38] : memref<3x256x128xf32, #tpu.memory_space<vmem>> -> memref<1x128x128xf32, #tpu.memory_space<vmem>>
    %dma_start3A_40 = tpu.memref_squeeze %dma_start3A_39 : memref<1x128x128xf32, #tpu.memory_space<vmem>> -> memref<128x128xf32, #tpu.memory_space<vmem>>
    %dma_start3A_41 = arith.constant 0 : i32
    %dma_start3A_42 = tpu.memref_slice %arg8[%dma_start3A_35, %dma_start3A_41] : memref<16x128xi32, #tpu.memory_space<vmem>> -> memref<1x128xi32, #tpu.memory_space<vmem>>
    %dma_start3A_43 = tpu.memref_squeeze %dma_start3A_42 : memref<1x128xi32, #tpu.memory_space<vmem>> -> memref<128xi32, #tpu.memory_space<vmem>>
    %dma_start3A_44 = arith.constant 0 : i32
    %dma_start3A_45 = arith.constant 0 : i32
    %dma_start3A_46 = tpu.memref_slice %arg10[%dma_start3A_44, %dma_start3A_45] : memref<224x128xf32, #tpu.memory_space<vmem_shared>> -> memref<224x128xf32, #tpu.memory_space<vmem_shared>>
    tpu.enqueue_indirect_dma source(%dma_start3A_46 : memref<224x128xf32, #tpu.memory_space<vmem_shared>>) target(%dma_start3A_40 : memref<128x128xf32, #tpu.memory_space<vmem>>) offsets(%dma_start3A_43 : memref<128xi32, #tpu.memory_space<vmem>>) semaphore(%arg11 : memref<!tpu.dma_semaphore, #tpu.memory_space<semaphore_mem>>)
    %dma_start3A_47 = arith.constant 3 : i32
    %dma_start3A_48 = arith.constant 1 : i32
    %dma_start3A_49 = arith.constant 128 : i32
    %dma_start3A_50 = arith.constant 0 : i32
    %dma_start3A_51 = tpu.memref_slice %arg9[%dma_start3A_48, %dma_start3A_49, %dma_start3A_50] : memref<3x256x128xf32, #tpu.memory_space<vmem>> -> memref<1x128x128xf32, #tpu.memory_space<vmem>>
    %dma_start3A_52 = tpu.memref_squeeze %dma_start3A_51 : memref<1x128x128xf32, #tpu.memory_space<vmem>> -> memref<128x128xf32, #tpu.memory_space<vmem>>
    %dma_start3A_53 = arith.constant 0 : i32
    %dma_start3A_54 = tpu.memref_slice %arg8[%dma_start3A_47, %dma_start3A_53] : memref<16x128xi32, #tpu.memory_space<vmem>> -> memref<1x128xi32, #tpu.memory_space<vmem>>
    %dma_start3A_55 = tpu.memref_squeeze %dma_start3A_54 : memref<1x128xi32, #tpu.memory_space<vmem>> -> memref<128xi32, #tpu.memory_space<vmem>>
    %dma_start3A_56 = arith.constant 0 : i32
    %dma_start3A_57 = arith.constant 0 : i32
    %dma_start3A_58 = tpu.memref_slice %arg10[%dma_start3A_56, %dma_start3A_57] : memref<224x128xf32, #tpu.memory_space<vmem_shared>> -> memref<224x128xf32, #tpu.memory_space<vmem_shared>>
    tpu.enqueue_indirect_dma source(%dma_start3A_58 : memref<224x128xf32, #tpu.memory_space<vmem_shared>>) target(%dma_start3A_52 : memref<128x128xf32, #tpu.memory_space<vmem>>) offsets(%dma_start3A_55 : memref<128xi32, #tpu.memory_space<vmem>>) semaphore(%arg11 : memref<!tpu.dma_semaphore, #tpu.memory_space<semaphore_mem>>)
    %dma_wait3A = arith.constant 0 : i32
    %dma_wait3A_59 = arith.constant 0 : i32
    %dma_wait3A_60 = arith.constant 0 : i32
    %dma_wait3A_61 = arith.constant 0 : i32
    %dma_wait3A_62 = tpu.memref_slice %arg9[%dma_wait3A_59, %dma_wait3A_60, %dma_wait3A_61] : memref<3x256x128xf32, #tpu.memory_space<vmem>> -> memref<1x128x128xf32, #tpu.memory_space<vmem>>
    %dma_wait3A_63 = tpu.memref_squeeze %dma_wait3A_62 : memref<1x128x128xf32, #tpu.memory_space<vmem>> -> memref<128x128xf32, #tpu.memory_space<vmem>>
    %dma_wait3A_64 = arith.constant 0 : i32
    %dma_wait3A_65 = tpu.memref_slice %arg8[%dma_wait3A, %dma_wait3A_64] : memref<16x128xi32, #tpu.memory_space<vmem>> -> memref<1x128xi32, #tpu.memory_space<vmem>>
    %dma_wait3A_66 = tpu.memref_squeeze %dma_wait3A_65 : memref<1x128xi32, #tpu.memory_space<vmem>> -> memref<128xi32, #tpu.memory_space<vmem>>
    %dma_wait3A_67 = arith.constant 0 : i32
    %dma_wait3A_68 = arith.constant 0 : i32
    %dma_wait3A_69 = tpu.memref_slice %arg10[%dma_wait3A_67, %dma_wait3A_68] : memref<224x128xf32, #tpu.memory_space<vmem_shared>> -> memref<224x128xf32, #tpu.memory_space<vmem_shared>>
    tpu.wait_indirect_dma semaphore(%arg11 : memref<!tpu.dma_semaphore, #tpu.memory_space<semaphore_mem>>) src(%dma_wait3A_69 : memref<224x128xf32, #tpu.memory_space<vmem_shared>>) dst(%dma_wait3A_63 : memref<128x128xf32, #tpu.memory_space<vmem>>)
    %dma_wait3A_70 = arith.constant 1 : i32
    %dma_wait3A_71 = arith.constant 0 : i32
    %dma_wait3A_72 = arith.constant 128 : i32
    %dma_wait3A_73 = arith.constant 0 : i32
    %dma_wait3A_74 = tpu.memref_slice %arg9[%dma_wait3A_71, %dma_wait3A_72, %dma_wait3A_73] : memref<3x256x128xf32, #tpu.memory_space<vmem>> -> memref<1x128x128xf32, #tpu.memory_space<vmem>>
    %dma_wait3A_75 = tpu.memref_squeeze %dma_wait3A_74 : memref<1x128x128xf32, #tpu.memory_space<vmem>> -> memref<128x128xf32, #tpu.memory_space<vmem>>
    %dma_wait3A_76 = arith.constant 0 : i32
    %dma_wait3A_77 = tpu.memref_slice %arg8[%dma_wait3A_70, %dma_wait3A_76] : memref<16x128xi32, #tpu.memory_space<vmem>> -> memref<1x128xi32, #tpu.memory_space<vmem>>
    %dma_wait3A_78 = tpu.memref_squeeze %dma_wait3A_77 : memref<1x128xi32, #tpu.memory_space<vmem>> -> memref<128xi32, #tpu.memory_space<vmem>>
    %dma_wait3A_79 = arith.constant 0 : i32
    %dma_wait3A_80 = arith.constant 0 : i32
    %dma_wait3A_81 = tpu.memref_slice %arg10[%dma_wait3A_79, %dma_wait3A_80] : memref<224x128xf32, #tpu.memory_space<vmem_shared>> -> memref<224x128xf32, #tpu.memory_space<vmem_shared>>
    tpu.wait_indirect_dma semaphore(%arg11 : memref<!tpu.dma_semaphore, #tpu.memory_space<semaphore_mem>>) src(%dma_wait3A_81 : memref<224x128xf32, #tpu.memory_space<vmem_shared>>) dst(%dma_wait3A_75 : memref<128x128xf32, #tpu.memory_space<vmem>>)
    %add3A_82 = arith.constant 0 : i32
    %add3A_83 = arith.addi %multiple_of3A, %add3A_82 : i32
    %dma_start3A_84 = arith.constant 0 : i32
    %dma_start3A_85 = arith.constant 0 : i32
    %dma_start3A_86 = arith.constant 0 : i32
    %dma_start3A_87 = tpu.memref_slice %arg9[%dma_start3A_84, %dma_start3A_85, %dma_start3A_86] : memref<3x256x128xf32, #tpu.memory_space<vmem>> -> memref<1x256x128xf32, #tpu.memory_space<vmem>>
    %dma_start3A_88 = tpu.memref_squeeze %dma_start3A_87 : memref<1x256x128xf32, #tpu.memory_space<vmem>> -> memref<256x128xf32, #tpu.memory_space<vmem>>
    %dma_start3A_89 = tpu.memref_reshape %dma_start3A_88 : memref<256x128xf32, #tpu.memory_space<vmem>> -> memref<64x512xf32, #tpu.memory_space<vmem>>
    %dma_start3A_90 = arith.constant 0 : i32
    %dma_start3A_91 = tpu.memref_slice %arg7[%add3A_83, %dma_start3A_90] : memref<16384x512xf32, #tpu.memory_space<hbm>> -> memref<64x512xf32, #tpu.memory_space<hbm>>
    %dma_start3A_92 = arith.constant 0 : i32
    %dma_start3A_93 = tpu.memref_slice %arg7[%add3A_83, %dma_start3A_92] : memref<16384x512xf32, #tpu.memory_space<hbm>> -> memref<64x512xf32, #tpu.memory_space<hbm>>
    %dma_start3A_94 = arith.constant 0 : i32
    %dma_start3A_95 = arith.constant 0 : i32
    %dma_start3A_96 = tpu.memref_slice %arg9[%dma_start3A_84, %dma_start3A_94, %dma_start3A_95] : memref<3x256x128xf32, #tpu.memory_space<vmem>> -> memref<1x256x128xf32, #tpu.memory_space<vmem>>
    %dma_start3A_97 = tpu.memref_squeeze %dma_start3A_96 : memref<1x256x128xf32, #tpu.memory_space<vmem>> -> memref<256x128xf32, #tpu.memory_space<vmem>>
    %dma_start3A_98 = tpu.memref_reshape %dma_start3A_97 : memref<256x128xf32, #tpu.memory_space<vmem>> -> memref<64x512xf32, #tpu.memory_space<vmem>>
    tpu.enqueue_dma source(%dma_start3A_98 : memref<64x512xf32, #tpu.memory_space<vmem>>) target(%dma_start3A_93 : memref<64x512xf32, #tpu.memory_space<hbm>>) target_semaphore(%arg12 : memref<!tpu.dma_semaphore, #tpu.memory_space<semaphore_mem>>)
    %dma_start3A_99 = arith.constant 4 : i32
    %dma_start3A_100 = arith.constant 2 : i32
    %dma_start3A_101 = arith.constant 0 : i32
    %dma_start3A_102 = arith.constant 0 : i32
    %dma_start3A_103 = tpu.memref_slice %arg9[%dma_start3A_100, %dma_start3A_101, %dma_start3A_102] : memref<3x256x128xf32, #tpu.memory_space<vmem>> -> memref<1x128x128xf32, #tpu.memory_space<vmem>>
    %dma_start3A_104 = tpu.memref_squeeze %dma_start3A_103 : memref<1x128x128xf32, #tpu.memory_space<vmem>> -> memref<128x128xf32, #tpu.memory_space<vmem>>
    %dma_start3A_105 = arith.constant 0 : i32
    %dma_start3A_106 = tpu.memref_slice %arg8[%dma_start3A_99, %dma_start3A_105] : memref<16x128xi32, #tpu.memory_space<vmem>> -> memref<1x128xi32, #tpu.memory_space<vmem>>
    %dma_start3A_107 = tpu.memref_squeeze %dma_start3A_106 : memref<1x128xi32, #tpu.memory_space<vmem>> -> memref<128xi32, #tpu.memory_space<vmem>>
    %dma_start3A_108 = arith.constant 0 : i32
    %dma_start3A_109 = arith.constant 0 : i32
    %dma_start3A_110 = tpu.memref_slice %arg10[%dma_start3A_108, %dma_start3A_109] : memref<224x128xf32, #tpu.memory_space<vmem_shared>> -> memref<224x128xf32, #tpu.memory_space<vmem_shared>>
    tpu.enqueue_indirect_dma source(%dma_start3A_110 : memref<224x128xf32, #tpu.memory_space<vmem_shared>>) target(%dma_start3A_104 : memref<128x128xf32, #tpu.memory_space<vmem>>) offsets(%dma_start3A_107 : memref<128xi32, #tpu.memory_space<vmem>>) semaphore(%arg11 : memref<!tpu.dma_semaphore, #tpu.memory_space<semaphore_mem>>)
    %dma_start3A_111 = arith.constant 5 : i32
    %dma_start3A_112 = arith.constant 2 : i32
    %dma_start3A_113 = arith.constant 128 : i32
    %dma_start3A_114 = arith.constant 0 : i32
    %dma_start3A_115 = tpu.memref_slice %arg9[%dma_start3A_112, %dma_start3A_113, %dma_start3A_114] : memref<3x256x128xf32, #tpu.memory_space<vmem>> -> memref<1x128x128xf32, #tpu.memory_space<vmem>>
    %dma_start3A_116 = tpu.memref_squeeze %dma_start3A_115 : memref<1x128x128xf32, #tpu.memory_space<vmem>> -> memref<128x128xf32, #tpu.memory_space<vmem>>
    %dma_start3A_117 = arith.constant 0 : i32
    %dma_start3A_118 = tpu.memref_slice %arg8[%dma_start3A_111, %dma_start3A_117] : memref<16x128xi32, #tpu.memory_space<vmem>> -> memref<1x128xi32, #tpu.memory_space<vmem>>
    %dma_start3A_119 = tpu.memref_squeeze %dma_start3A_118 : memref<1x128xi32, #tpu.memory_space<vmem>> -> memref<128xi32, #tpu.memory_space<vmem>>
    %dma_start3A_120 = arith.constant 0 : i32
    %dma_start3A_121 = arith.constant 0 : i32
    %dma_start3A_122 = tpu.memref_slice %arg10[%dma_start3A_120, %dma_start3A_121] : memref<224x128xf32, #tpu.memory_space<vmem_shared>> -> memref<224x128xf32, #tpu.memory_space<vmem_shared>>
    tpu.enqueue_indirect_dma source(%dma_start3A_122 : memref<224x128xf32, #tpu.memory_space<vmem_shared>>) target(%dma_start3A_116 : memref<128x128xf32, #tpu.memory_space<vmem>>) offsets(%dma_start3A_119 : memref<128xi32, #tpu.memory_space<vmem>>) semaphore(%arg11 : memref<!tpu.dma_semaphore, #tpu.memory_space<semaphore_mem>>)
    %dma_wait3A_123 = arith.constant 2 : i32
    %dma_wait3A_124 = arith.constant 1 : i32
    %dma_wait3A_125 = arith.constant 0 : i32
    %dma_wait3A_126 = arith.constant 0 : i32
    %dma_wait3A_127 = tpu.memref_slice %arg9[%dma_wait3A_124, %dma_wait3A_125, %dma_wait3A_126] : memref<3x256x128xf32, #tpu.memory_space<vmem>> -> memref<1x128x128xf32, #tpu.memory_space<vmem>>
    %dma_wait3A_128 = tpu.memref_squeeze %dma_wait3A_127 : memref<1x128x128xf32, #tpu.memory_space<vmem>> -> memref<128x128xf32, #tpu.memory_space<vmem>>
    %dma_wait3A_129 = arith.constant 0 : i32
    %dma_wait3A_130 = tpu.memref_slice %arg8[%dma_wait3A_123, %dma_wait3A_129] : memref<16x128xi32, #tpu.memory_space<vmem>> -> memref<1x128xi32, #tpu.memory_space<vmem>>
    %dma_wait3A_131 = tpu.memref_squeeze %dma_wait3A_130 : memref<1x128xi32, #tpu.memory_space<vmem>> -> memref<128xi32, #tpu.memory_space<vmem>>
    %dma_wait3A_132 = arith.constant 0 : i32
    %dma_wait3A_133 = arith.constant 0 : i32
    %dma_wait3A_134 = tpu.memref_slice %arg10[%dma_wait3A_132, %dma_wait3A_133] : memref<224x128xf32, #tpu.memory_space<vmem_shared>> -> memref<224x128xf32, #tpu.memory_space<vmem_shared>>
    tpu.wait_indirect_dma semaphore(%arg11 : memref<!tpu.dma_semaphore, #tpu.memory_space<semaphore_mem>>) src(%dma_wait3A_134 : memref<224x128xf32, #tpu.memory_space<vmem_shared>>) dst(%dma_wait3A_128 : memref<128x128xf32, #tpu.memory_space<vmem>>)
    %dma_wait3A_135 = arith.constant 3 : i32
    %dma_wait3A_136 = arith.constant 1 : i32
    %dma_wait3A_137 = arith.constant 128 : i32
    %dma_wait3A_138 = arith.constant 0 : i32
    %dma_wait3A_139 = tpu.memref_slice %arg9[%dma_wait3A_136, %dma_wait3A_137, %dma_wait3A_138] : memref<3x256x128xf32, #tpu.memory_space<vmem>> -> memref<1x128x128xf32, #tpu.memory_space<vmem>>
    %dma_wait3A_140 = tpu.memref_squeeze %dma_wait3A_139 : memref<1x128x128xf32, #tpu.memory_space<vmem>> -> memref<128x128xf32, #tpu.memory_space<vmem>>
    %dma_wait3A_141 = arith.constant 0 : i32
    %dma_wait3A_142 = tpu.memref_slice %arg8[%dma_wait3A_135, %dma_wait3A_141] : memref<16x128xi32, #tpu.memory_space<vmem>> -> memref<1x128xi32, #tpu.memory_space<vmem>>
    %dma_wait3A_143 = tpu.memref_squeeze %dma_wait3A_142 : memref<1x128xi32, #tpu.memory_space<vmem>> -> memref<128xi32, #tpu.memory_space<vmem>>
    %dma_wait3A_144 = arith.constant 0 : i32
    %dma_wait3A_145 = arith.constant 0 : i32
    %dma_wait3A_146 = tpu.memref_slice %arg10[%dma_wait3A_144, %dma_wait3A_145] : memref<224x128xf32, #tpu.memory_space<vmem_shared>> -> memref<224x128xf32, #tpu.memory_space<vmem_shared>>
    tpu.wait_indirect_dma semaphore(%arg11 : memref<!tpu.dma_semaphore, #tpu.memory_space<semaphore_mem>>) src(%dma_wait3A_146 : memref<224x128xf32, #tpu.memory_space<vmem_shared>>) dst(%dma_wait3A_140 : memref<128x128xf32, #tpu.memory_space<vmem>>)
    %add3A_147 = arith.constant 64 : i32
    %add3A_148 = arith.addi %multiple_of3A, %add3A_147 : i32
    %dma_start3A_149 = arith.constant 1 : i32
    %dma_start3A_150 = arith.constant 0 : i32
    %dma_start3A_151 = arith.constant 0 : i32
    %dma_start3A_152 = tpu.memref_slice %arg9[%dma_start3A_149, %dma_start3A_150, %dma_start3A_151] : memref<3x256x128xf32, #tpu.memory_space<vmem>> -> memref<1x256x128xf32, #tpu.memory_space<vmem>>
    %dma_start3A_153 = tpu.memref_squeeze %dma_start3A_152 : memref<1x256x128xf32, #tpu.memory_space<vmem>> -> memref<256x128xf32, #tpu.memory_space<vmem>>
    %dma_start3A_154 = tpu.memref_reshape %dma_start3A_153 : memref<256x128xf32, #tpu.memory_space<vmem>> -> memref<64x512xf32, #tpu.memory_space<vmem>>
    %dma_start3A_155 = arith.constant 0 : i32
    %dma_start3A_156 = tpu.memref_slice %arg7[%add3A_148, %dma_start3A_155] : memref<16384x512xf32, #tpu.memory_space<hbm>> -> memref<64x512xf32, #tpu.memory_space<hbm>>
    %dma_start3A_157 = arith.constant 0 : i32
    %dma_start3A_158 = tpu.memref_slice %arg7[%add3A_148, %dma_start3A_157] : memref<16384x512xf32, #tpu.memory_space<hbm>> -> memref<64x512xf32, #tpu.memory_space<hbm>>
    %dma_start3A_159 = arith.constant 0 : i32
    %dma_start3A_160 = arith.constant 0 : i32
    %dma_start3A_161 = tpu.memref_slice %arg9[%dma_start3A_149, %dma_start3A_159, %dma_start3A_160] : memref<3x256x128xf32, #tpu.memory_space<vmem>> -> memref<1x256x128xf32, #tpu.memory_space<vmem>>
    %dma_start3A_162 = tpu.memref_squeeze %dma_start3A_161 : memref<1x256x128xf32, #tpu.memory_space<vmem>> -> memref<256x128xf32, #tpu.memory_space<vmem>>
    %dma_start3A_163 = tpu.memref_reshape %dma_start3A_162 : memref<256x128xf32, #tpu.memory_space<vmem>> -> memref<64x512xf32, #tpu.memory_space<vmem>>
    tpu.enqueue_dma source(%dma_start3A_163 : memref<64x512xf32, #tpu.memory_space<vmem>>) target(%dma_start3A_158 : memref<64x512xf32, #tpu.memory_space<hbm>>) target_semaphore(%arg12 : memref<!tpu.dma_semaphore, #tpu.memory_space<semaphore_mem>>)
    %dma_wait3A_164 = arith.constant 0 : i32
    %dma_wait3A_165 = arith.constant 0 : i32
    %dma_wait3A_166 = arith.constant 0 : i32
    %dma_wait3A_167 = tpu.memref_slice %arg9[%dma_wait3A_164, %dma_wait3A_165, %dma_wait3A_166] : memref<3x256x128xf32, #tpu.memory_space<vmem>> -> memref<1x256x128xf32, #tpu.memory_space<vmem>>
    %dma_wait3A_168 = tpu.memref_squeeze %dma_wait3A_167 : memref<1x256x128xf32, #tpu.memory_space<vmem>> -> memref<256x128xf32, #tpu.memory_space<vmem>>
    %dma_wait3A_169 = tpu.memref_reshape %dma_wait3A_168 : memref<256x128xf32, #tpu.memory_space<vmem>> -> memref<64x512xf32, #tpu.memory_space<vmem>>
    %dma_wait3A_170 = arith.constant 0 : i32
    %dma_wait3A_171 = tpu.memref_slice %arg7[%add3A_83, %dma_wait3A_170] : memref<16384x512xf32, #tpu.memory_space<hbm>> -> memref<64x512xf32, #tpu.memory_space<hbm>>
    %dma_wait3A_172 = arith.constant 0 : i32
    %dma_wait3A_173 = tpu.memref_slice %arg7[%add3A_83, %dma_wait3A_172] : memref<16384x512xf32, #tpu.memory_space<hbm>> -> memref<64x512xf32, #tpu.memory_space<hbm>>
    %dma_wait3A_174 = arith.constant 0 : i32
    %dma_wait3A_175 = arith.constant 0 : i32
    %dma_wait3A_176 = tpu.memref_slice %arg9[%dma_wait3A_164, %dma_wait3A_174, %dma_wait3A_175] : memref<3x256x128xf32, #tpu.memory_space<vmem>> -> memref<1x256x128xf32, #tpu.memory_space<vmem>>
    %dma_wait3A_177 = tpu.memref_squeeze %dma_wait3A_176 : memref<1x256x128xf32, #tpu.memory_space<vmem>> -> memref<256x128xf32, #tpu.memory_space<vmem>>
    %dma_wait3A_178 = tpu.memref_reshape %dma_wait3A_177 : memref<256x128xf32, #tpu.memory_space<vmem>> -> memref<64x512xf32, #tpu.memory_space<vmem>>
    tpu.wait_dma2 semaphore(%arg12 : memref<!tpu.dma_semaphore, #tpu.memory_space<semaphore_mem>>) src(%dma_wait3A_178 : memref<64x512xf32, #tpu.memory_space<vmem>>) dst(%dma_wait3A_173 : memref<64x512xf32, #tpu.memory_space<hbm>>)
    %dma_start3A_179 = arith.constant 6 : i32
    %dma_start3A_180 = arith.constant 0 : i32
    %dma_start3A_181 = arith.constant 0 : i32
    %dma_start3A_182 = arith.constant 0 : i32
    %dma_start3A_183 = tpu.memref_slice %arg9[%dma_start3A_180, %dma_start3A_181, %dma_start3A_182] : memref<3x256x128xf32, #tpu.memory_space<vmem>> -> memref<1x128x128xf32, #tpu.memory_space<vmem>>
    %dma_start3A_184 = tpu.memref_squeeze %dma_start3A_183 : memref<1x128x128xf32, #tpu.memory_space<vmem>> -> memref<128x128xf32, #tpu.memory_space<vmem>>
    %dma_start3A_185 = arith.constant 0 : i32
    %dma_start3A_186 = tpu.memref_slice %arg8[%dma_start3A_179, %dma_start3A_185] : memref<16x128xi32, #tpu.memory_space<vmem>> -> memref<1x128xi32, #tpu.memory_space<vmem>>
    %dma_start3A_187 = tpu.memref_squeeze %dma_start3A_186 : memref<1x128xi32, #tpu.memory_space<vmem>> -> memref<128xi32, #tpu.memory_space<vmem>>
    %dma_start3A_188 = arith.constant 0 : i32
    %dma_start3A_189 = arith.constant 0 : i32
    %dma_start3A_190 = tpu.memref_slice %arg10[%dma_start3A_188, %dma_start3A_189] : memref<224x128xf32, #tpu.memory_space<vmem_shared>> -> memref<224x128xf32, #tpu.memory_space<vmem_shared>>
    tpu.enqueue_indirect_dma source(%dma_start3A_190 : memref<224x128xf32, #tpu.memory_space<vmem_shared>>) target(%dma_start3A_184 : memref<128x128xf32, #tpu.memory_space<vmem>>) offsets(%dma_start3A_187 : memref<128xi32, #tpu.memory_space<vmem>>) semaphore(%arg11 : memref<!tpu.dma_semaphore, #tpu.memory_space<semaphore_mem>>)
    %dma_start3A_191 = arith.constant 7 : i32
    %dma_start3A_192 = arith.constant 0 : i32
    %dma_start3A_193 = arith.constant 128 : i32
    %dma_start3A_194 = arith.constant 0 : i32
    %dma_start3A_195 = tpu.memref_slice %arg9[%dma_start3A_192, %dma_start3A_193, %dma_start3A_194] : memref<3x256x128xf32, #tpu.memory_space<vmem>> -> memref<1x128x128xf32, #tpu.memory_space<vmem>>
    %dma_start3A_196 = tpu.memref_squeeze %dma_start3A_195 : memref<1x128x128xf32, #tpu.memory_space<vmem>> -> memref<128x128xf32, #tpu.memory_space<vmem>>
    %dma_start3A_197 = arith.constant 0 : i32
    %dma_start3A_198 = tpu.memref_slice %arg8[%dma_start3A_191, %dma_start3A_197] : memref<16x128xi32, #tpu.memory_space<vmem>> -> memref<1x128xi32, #tpu.memory_space<vmem>>
    %dma_start3A_199 = tpu.memref_squeeze %dma_start3A_198 : memref<1x128xi32, #tpu.memory_space<vmem>> -> memref<128xi32, #tpu.memory_space<vmem>>
    %dma_start3A_200 = arith.constant 0 : i32
    %dma_start3A_201 = arith.constant 0 : i32
    %dma_start3A_202 = tpu.memref_slice %arg10[%dma_start3A_200, %dma_start3A_201] : memref<224x128xf32, #tpu.memory_space<vmem_shared>> -> memref<224x128xf32, #tpu.memory_space<vmem_shared>>
    tpu.enqueue_indirect_dma source(%dma_start3A_202 : memref<224x128xf32, #tpu.memory_space<vmem_shared>>) target(%dma_start3A_196 : memref<128x128xf32, #tpu.memory_space<vmem>>) offsets(%dma_start3A_199 : memref<128xi32, #tpu.memory_space<vmem>>) semaphore(%arg11 : memref<!tpu.dma_semaphore, #tpu.memory_space<semaphore_mem>>)
    %dma_wait3A_203 = arith.constant 4 : i32
    %dma_wait3A_204 = arith.constant 2 : i32
    %dma_wait3A_205 = arith.constant 0 : i32
    %dma_wait3A_206 = arith.constant 0 : i32
    %dma_wait3A_207 = tpu.memref_slice %arg9[%dma_wait3A_204, %dma_wait3A_205, %dma_wait3A_206] : memref<3x256x128xf32, #tpu.memory_space<vmem>> -> memref<1x128x128xf32, #tpu.memory_space<vmem>>
    %dma_wait3A_208 = tpu.memref_squeeze %dma_wait3A_207 : memref<1x128x128xf32, #tpu.memory_space<vmem>> -> memref<128x128xf32, #tpu.memory_space<vmem>>
    %dma_wait3A_209 = arith.constant 0 : i32
    %dma_wait3A_210 = tpu.memref_slice %arg8[%dma_wait3A_203, %dma_wait3A_209] : memref<16x128xi32, #tpu.memory_space<vmem>> -> memref<1x128xi32, #tpu.memory_space<vmem>>
    %dma_wait3A_211 = tpu.memref_squeeze %dma_wait3A_210 : memref<1x128xi32, #tpu.memory_space<vmem>> -> memref<128xi32, #tpu.memory_space<vmem>>
    %dma_wait3A_212 = arith.constant 0 : i32
    %dma_wait3A_213 = arith.constant 0 : i32
    %dma_wait3A_214 = tpu.memref_slice %arg10[%dma_wait3A_212, %dma_wait3A_213] : memref<224x128xf32, #tpu.memory_space<vmem_shared>> -> memref<224x128xf32, #tpu.memory_space<vmem_shared>>
    tpu.wait_indirect_dma semaphore(%arg11 : memref<!tpu.dma_semaphore, #tpu.memory_space<semaphore_mem>>) src(%dma_wait3A_214 : memref<224x128xf32, #tpu.memory_space<vmem_shared>>) dst(%dma_wait3A_208 : memref<128x128xf32, #tpu.memory_space<vmem>>)
    %dma_wait3A_215 = arith.constant 5 : i32
    %dma_wait3A_216 = arith.constant 2 : i32
    %dma_wait3A_217 = arith.constant 128 : i32
    %dma_wait3A_218 = arith.constant 0 : i32
    %dma_wait3A_219 = tpu.memref_slice %arg9[%dma_wait3A_216, %dma_wait3A_217, %dma_wait3A_218] : memref<3x256x128xf32, #tpu.memory_space<vmem>> -> memref<1x128x128xf32, #tpu.memory_space<vmem>>
    %dma_wait3A_220 = tpu.memref_squeeze %dma_wait3A_219 : memref<1x128x128xf32, #tpu.memory_space<vmem>> -> memref<128x128xf32, #tpu.memory_space<vmem>>
    %dma_wait3A_221 = arith.constant 0 : i32
    %dma_wait3A_222 = tpu.memref_slice %arg8[%dma_wait3A_215, %dma_wait3A_221] : memref<16x128xi32, #tpu.memory_space<vmem>> -> memref<1x128xi32, #tpu.memory_space<vmem>>
    %dma_wait3A_223 = tpu.memref_squeeze %dma_wait3A_222 : memref<1x128xi32, #tpu.memory_space<vmem>> -> memref<128xi32, #tpu.memory_space<vmem>>
    %dma_wait3A_224 = arith.constant 0 : i32
    %dma_wait3A_225 = arith.constant 0 : i32
    %dma_wait3A_226 = tpu.memref_slice %arg10[%dma_wait3A_224, %dma_wait3A_225] : memref<224x128xf32, #tpu.memory_space<vmem_shared>> -> memref<224x128xf32, #tpu.memory_space<vmem_shared>>
    tpu.wait_indirect_dma semaphore(%arg11 : memref<!tpu.dma_semaphore, #tpu.memory_space<semaphore_mem>>) src(%dma_wait3A_226 : memref<224x128xf32, #tpu.memory_space<vmem_shared>>) dst(%dma_wait3A_220 : memref<128x128xf32, #tpu.memory_space<vmem>>)
    %add3A_227 = arith.constant 128 : i32
    %add3A_228 = arith.addi %multiple_of3A, %add3A_227 : i32
    %dma_start3A_229 = arith.constant 2 : i32
    %dma_start3A_230 = arith.constant 0 : i32
    %dma_start3A_231 = arith.constant 0 : i32
    %dma_start3A_232 = tpu.memref_slice %arg9[%dma_start3A_229, %dma_start3A_230, %dma_start3A_231] : memref<3x256x128xf32, #tpu.memory_space<vmem>> -> memref<1x256x128xf32, #tpu.memory_space<vmem>>
    %dma_start3A_233 = tpu.memref_squeeze %dma_start3A_232 : memref<1x256x128xf32, #tpu.memory_space<vmem>> -> memref<256x128xf32, #tpu.memory_space<vmem>>
    %dma_start3A_234 = tpu.memref_reshape %dma_start3A_233 : memref<256x128xf32, #tpu.memory_space<vmem>> -> memref<64x512xf32, #tpu.memory_space<vmem>>
    %dma_start3A_235 = arith.constant 0 : i32
    %dma_start3A_236 = tpu.memref_slice %arg7[%add3A_228, %dma_start3A_235] : memref<16384x512xf32, #tpu.memory_space<hbm>> -> memref<64x512xf32, #tpu.memory_space<hbm>>
    %dma_start3A_237 = arith.constant 0 : i32
    %dma_start3A_238 = tpu.memref_slice %arg7[%add3A_228, %dma_start3A_237] : memref<16384x512xf32, #tpu.memory_space<hbm>> -> memref<64x512xf32, #tpu.memory_space<hbm>>
    %dma_start3A_239 = arith.constant 0 : i32
    %dma_start3A_240 = arith.constant 0 : i32
    %dma_start3A_241 = tpu.memref_slice %arg9[%dma_start3A_229, %dma_start3A_239, %dma_start3A_240] : memref<3x256x128xf32, #tpu.memory_space<vmem>> -> memref<1x256x128xf32, #tpu.memory_space<vmem>>
    %dma_start3A_242 = tpu.memref_squeeze %dma_start3A_241 : memref<1x256x128xf32, #tpu.memory_space<vmem>> -> memref<256x128xf32, #tpu.memory_space<vmem>>
    %dma_start3A_243 = tpu.memref_reshape %dma_start3A_242 : memref<256x128xf32, #tpu.memory_space<vmem>> -> memref<64x512xf32, #tpu.memory_space<vmem>>
    tpu.enqueue_dma source(%dma_start3A_243 : memref<64x512xf32, #tpu.memory_space<vmem>>) target(%dma_start3A_238 : memref<64x512xf32, #tpu.memory_space<hbm>>) target_semaphore(%arg12 : memref<!tpu.dma_semaphore, #tpu.memory_space<semaphore_mem>>)
    %dma_wait3A_244 = arith.constant 1 : i32
    %dma_wait3A_245 = arith.constant 0 : i32
    %dma_wait3A_246 = arith.constant 0 : i32
    %dma_wait3A_247 = tpu.memref_slice %arg9[%dma_wait3A_244, %dma_wait3A_245, %dma_wait3A_246] : memref<3x256x128xf32, #tpu.memory_space<vmem>> -> memref<1x256x128xf32, #tpu.memory_space<vmem>>
    %dma_wait3A_248 = tpu.memref_squeeze %dma_wait3A_247 : memref<1x256x128xf32, #tpu.memory_space<vmem>> -> memref<256x128xf32, #tpu.memory_space<vmem>>
    %dma_wait3A_249 = tpu.memref_reshape %dma_wait3A_248 : memref<256x128xf32, #tpu.memory_space<vmem>> -> memref<64x512xf32, #tpu.memory_space<vmem>>
    %dma_wait3A_250 = arith.constant 0 : i32
    %dma_wait3A_251 = tpu.memref_slice %arg7[%add3A_148, %dma_wait3A_250] : memref<16384x512xf32, #tpu.memory_space<hbm>> -> memref<64x512xf32, #tpu.memory_space<hbm>>
    %dma_wait3A_252 = arith.constant 0 : i32
    %dma_wait3A_253 = tpu.memref_slice %arg7[%add3A_148, %dma_wait3A_252] : memref<16384x512xf32, #tpu.memory_space<hbm>> -> memref<64x512xf32, #tpu.memory_space<hbm>>
    %dma_wait3A_254 = arith.constant 0 : i32
    %dma_wait3A_255 = arith.constant 0 : i32
    %dma_wait3A_256 = tpu.memref_slice %arg9[%dma_wait3A_244, %dma_wait3A_254, %dma_wait3A_255] : memref<3x256x128xf32, #tpu.memory_space<vmem>> -> memref<1x256x128xf32, #tpu.memory_space<vmem>>
    %dma_wait3A_257 = tpu.memref_squeeze %dma_wait3A_256 : memref<1x256x128xf32, #tpu.memory_space<vmem>> -> memref<256x128xf32, #tpu.memory_space<vmem>>
    %dma_wait3A_258 = tpu.memref_reshape %dma_wait3A_257 : memref<256x128xf32, #tpu.memory_space<vmem>> -> memref<64x512xf32, #tpu.memory_space<vmem>>
    tpu.wait_dma2 semaphore(%arg12 : memref<!tpu.dma_semaphore, #tpu.memory_space<semaphore_mem>>) src(%dma_wait3A_258 : memref<64x512xf32, #tpu.memory_space<vmem>>) dst(%dma_wait3A_253 : memref<64x512xf32, #tpu.memory_space<hbm>>)
    %dma_start3A_259 = arith.constant 8 : i32
    %dma_start3A_260 = arith.constant 1 : i32
    %dma_start3A_261 = arith.constant 0 : i32
    %dma_start3A_262 = arith.constant 0 : i32
    %dma_start3A_263 = tpu.memref_slice %arg9[%dma_start3A_260, %dma_start3A_261, %dma_start3A_262] : memref<3x256x128xf32, #tpu.memory_space<vmem>> -> memref<1x128x128xf32, #tpu.memory_space<vmem>>
    %dma_start3A_264 = tpu.memref_squeeze %dma_start3A_263 : memref<1x128x128xf32, #tpu.memory_space<vmem>> -> memref<128x128xf32, #tpu.memory_space<vmem>>
    %dma_start3A_265 = arith.constant 0 : i32
    %dma_start3A_266 = tpu.memref_slice %arg8[%dma_start3A_259, %dma_start3A_265] : memref<16x128xi32, #tpu.memory_space<vmem>> -> memref<1x128xi32, #tpu.memory_space<vmem>>
    %dma_start3A_267 = tpu.memref_squeeze %dma_start3A_266 : memref<1x128xi32, #tpu.memory_space<vmem>> -> memref<128xi32, #tpu.memory_space<vmem>>
    %dma_start3A_268 = arith.constant 0 : i32
    %dma_start3A_269 = arith.constant 0 : i32
    %dma_start3A_270 = tpu.memref_slice %arg10[%dma_start3A_268, %dma_start3A_269] : memref<224x128xf32, #tpu.memory_space<vmem_shared>> -> memref<224x128xf32, #tpu.memory_space<vmem_shared>>
    tpu.enqueue_indirect_dma source(%dma_start3A_270 : memref<224x128xf32, #tpu.memory_space<vmem_shared>>) target(%dma_start3A_264 : memref<128x128xf32, #tpu.memory_space<vmem>>) offsets(%dma_start3A_267 : memref<128xi32, #tpu.memory_space<vmem>>) semaphore(%arg11 : memref<!tpu.dma_semaphore, #tpu.memory_space<semaphore_mem>>)
    %dma_start3A_271 = arith.constant 9 : i32
    %dma_start3A_272 = arith.constant 1 : i32
    %dma_start3A_273 = arith.constant 128 : i32
    %dma_start3A_274 = arith.constant 0 : i32
    %dma_start3A_275 = tpu.memref_slice %arg9[%dma_start3A_272, %dma_start3A_273, %dma_start3A_274] : memref<3x256x128xf32, #tpu.memory_space<vmem>> -> memref<1x128x128xf32, #tpu.memory_space<vmem>>
    %dma_start3A_276 = tpu.memref_squeeze %dma_start3A_275 : memref<1x128x128xf32, #tpu.memory_space<vmem>> -> memref<128x128xf32, #tpu.memory_space<vmem>>
    %dma_start3A_277 = arith.constant 0 : i32
    %dma_start3A_278 = tpu.memref_slice %arg8[%dma_start3A_271, %dma_start3A_277] : memref<16x128xi32, #tpu.memory_space<vmem>> -> memref<1x128xi32, #tpu.memory_space<vmem>>
    %dma_start3A_279 = tpu.memref_squeeze %dma_start3A_278 : memref<1x128xi32, #tpu.memory_space<vmem>> -> memref<128xi32, #tpu.memory_space<vmem>>
    %dma_start3A_280 = arith.constant 0 : i32
    %dma_start3A_281 = arith.constant 0 : i32
    %dma_start3A_282 = tpu.memref_slice %arg10[%dma_start3A_280, %dma_start3A_281] : memref<224x128xf32, #tpu.memory_space<vmem_shared>> -> memref<224x128xf32, #tpu.memory_space<vmem_shared>>
    tpu.enqueue_indirect_dma source(%dma_start3A_282 : memref<224x128xf32, #tpu.memory_space<vmem_shared>>) target(%dma_start3A_276 : memref<128x128xf32, #tpu.memory_space<vmem>>) offsets(%dma_start3A_279 : memref<128xi32, #tpu.memory_space<vmem>>) semaphore(%arg11 : memref<!tpu.dma_semaphore, #tpu.memory_space<semaphore_mem>>)
    %dma_wait3A_283 = arith.constant 6 : i32
    %dma_wait3A_284 = arith.constant 0 : i32
    %dma_wait3A_285 = arith.constant 0 : i32
    %dma_wait3A_286 = arith.constant 0 : i32
    %dma_wait3A_287 = tpu.memref_slice %arg9[%dma_wait3A_284, %dma_wait3A_285, %dma_wait3A_286] : memref<3x256x128xf32, #tpu.memory_space<vmem>> -> memref<1x128x128xf32, #tpu.memory_space<vmem>>
    %dma_wait3A_288 = tpu.memref_squeeze %dma_wait3A_287 : memref<1x128x128xf32, #tpu.memory_space<vmem>> -> memref<128x128xf32, #tpu.memory_space<vmem>>
    %dma_wait3A_289 = arith.constant 0 : i32
    %dma_wait3A_290 = tpu.memref_slice %arg8[%dma_wait3A_283, %dma_wait3A_289] : memref<16x128xi32, #tpu.memory_space<vmem>> -> memref<1x128xi32, #tpu.memory_space<vmem>>
    %dma_wait3A_291 = tpu.memref_squeeze %dma_wait3A_290 : memref<1x128xi32, #tpu.memory_space<vmem>> -> memref<128xi32, #tpu.memory_space<vmem>>
    %dma_wait3A_292 = arith.constant 0 : i32
    %dma_wait3A_293 = arith.constant 0 : i32
    %dma_wait3A_294 = tpu.memref_slice %arg10[%dma_wait3A_292, %dma_wait3A_293] : memref<224x128xf32, #tpu.memory_space<vmem_shared>> -> memref<224x128xf32, #tpu.memory_space<vmem_shared>>
    tpu.wait_indirect_dma semaphore(%arg11 : memref<!tpu.dma_semaphore, #tpu.memory_space<semaphore_mem>>) src(%dma_wait3A_294 : memref<224x128xf32, #tpu.memory_space<vmem_shared>>) dst(%dma_wait3A_288 : memref<128x128xf32, #tpu.memory_space<vmem>>)
    %dma_wait3A_295 = arith.constant 7 : i32
    %dma_wait3A_296 = arith.constant 0 : i32
    %dma_wait3A_297 = arith.constant 128 : i32
    %dma_wait3A_298 = arith.constant 0 : i32
    %dma_wait3A_299 = tpu.memref_slice %arg9[%dma_wait3A_296, %dma_wait3A_297, %dma_wait3A_298] : memref<3x256x128xf32, #tpu.memory_space<vmem>> -> memref<1x128x128xf32, #tpu.memory_space<vmem>>
    %dma_wait3A_300 = tpu.memref_squeeze %dma_wait3A_299 : memref<1x128x128xf32, #tpu.memory_space<vmem>> -> memref<128x128xf32, #tpu.memory_space<vmem>>
    %dma_wait3A_301 = arith.constant 0 : i32
    %dma_wait3A_302 = tpu.memref_slice %arg8[%dma_wait3A_295, %dma_wait3A_301] : memref<16x128xi32, #tpu.memory_space<vmem>> -> memref<1x128xi32, #tpu.memory_space<vmem>>
    %dma_wait3A_303 = tpu.memref_squeeze %dma_wait3A_302 : memref<1x128xi32, #tpu.memory_space<vmem>> -> memref<128xi32, #tpu.memory_space<vmem>>
    %dma_wait3A_304 = arith.constant 0 : i32
    %dma_wait3A_305 = arith.constant 0 : i32
    %dma_wait3A_306 = tpu.memref_slice %arg10[%dma_wait3A_304, %dma_wait3A_305] : memref<224x128xf32, #tpu.memory_space<vmem_shared>> -> memref<224x128xf32, #tpu.memory_space<vmem_shared>>
    tpu.wait_indirect_dma semaphore(%arg11 : memref<!tpu.dma_semaphore, #tpu.memory_space<semaphore_mem>>) src(%dma_wait3A_306 : memref<224x128xf32, #tpu.memory_space<vmem_shared>>) dst(%dma_wait3A_300 : memref<128x128xf32, #tpu.memory_space<vmem>>)
    %add3A_307 = arith.constant 192 : i32
    %add3A_308 = arith.addi %multiple_of3A, %add3A_307 : i32
    %dma_start3A_309 = arith.constant 0 : i32
    %dma_start3A_310 = arith.constant 0 : i32
    %dma_start3A_311 = arith.constant 0 : i32
    %dma_start3A_312 = tpu.memref_slice %arg9[%dma_start3A_309, %dma_start3A_310, %dma_start3A_311] : memref<3x256x128xf32, #tpu.memory_space<vmem>> -> memref<1x256x128xf32, #tpu.memory_space<vmem>>
    %dma_start3A_313 = tpu.memref_squeeze %dma_start3A_312 : memref<1x256x128xf32, #tpu.memory_space<vmem>> -> memref<256x128xf32, #tpu.memory_space<vmem>>
    %dma_start3A_314 = tpu.memref_reshape %dma_start3A_313 : memref<256x128xf32, #tpu.memory_space<vmem>> -> memref<64x512xf32, #tpu.memory_space<vmem>>
    %dma_start3A_315 = arith.constant 0 : i32
    %dma_start3A_316 = tpu.memref_slice %arg7[%add3A_308, %dma_start3A_315] : memref<16384x512xf32, #tpu.memory_space<hbm>> -> memref<64x512xf32, #tpu.memory_space<hbm>>
    %dma_start3A_317 = arith.constant 0 : i32
    %dma_start3A_318 = tpu.memref_slice %arg7[%add3A_308, %dma_start3A_317] : memref<16384x512xf32, #tpu.memory_space<hbm>> -> memref<64x512xf32, #tpu.memory_space<hbm>>
    %dma_start3A_319 = arith.constant 0 : i32
    %dma_start3A_320 = arith.constant 0 : i32
    %dma_start3A_321 = tpu.memref_slice %arg9[%dma_start3A_309, %dma_start3A_319, %dma_start3A_320] : memref<3x256x128xf32, #tpu.memory_space<vmem>> -> memref<1x256x128xf32, #tpu.memory_space<vmem>>
    %dma_start3A_322 = tpu.memref_squeeze %dma_start3A_321 : memref<1x256x128xf32, #tpu.memory_space<vmem>> -> memref<256x128xf32, #tpu.memory_space<vmem>>
    %dma_start3A_323 = tpu.memref_reshape %dma_start3A_322 : memref<256x128xf32, #tpu.memory_space<vmem>> -> memref<64x512xf32, #tpu.memory_space<vmem>>
    tpu.enqueue_dma source(%dma_start3A_323 : memref<64x512xf32, #tpu.memory_space<vmem>>) target(%dma_start3A_318 : memref<64x512xf32, #tpu.memory_space<hbm>>) target_semaphore(%arg12 : memref<!tpu.dma_semaphore, #tpu.memory_space<semaphore_mem>>)
    %dma_wait3A_324 = arith.constant 2 : i32
    %dma_wait3A_325 = arith.constant 0 : i32
    %dma_wait3A_326 = arith.constant 0 : i32
    %dma_wait3A_327 = tpu.memref_slice %arg9[%dma_wait3A_324, %dma_wait3A_325, %dma_wait3A_326] : memref<3x256x128xf32, #tpu.memory_space<vmem>> -> memref<1x256x128xf32, #tpu.memory_space<vmem>>
    %dma_wait3A_328 = tpu.memref_squeeze %dma_wait3A_327 : memref<1x256x128xf32, #tpu.memory_space<vmem>> -> memref<256x128xf32, #tpu.memory_space<vmem>>
    %dma_wait3A_329 = tpu.memref_reshape %dma_wait3A_328 : memref<256x128xf32, #tpu.memory_space<vmem>> -> memref<64x512xf32, #tpu.memory_space<vmem>>
    %dma_wait3A_330 = arith.constant 0 : i32
    %dma_wait3A_331 = tpu.memref_slice %arg7[%add3A_228, %dma_wait3A_330] : memref<16384x512xf32, #tpu.memory_space<hbm>> -> memref<64x512xf32, #tpu.memory_space<hbm>>
    %dma_wait3A_332 = arith.constant 0 : i32
    %dma_wait3A_333 = tpu.memref_slice %arg7[%add3A_228, %dma_wait3A_332] : memref<16384x512xf32, #tpu.memory_space<hbm>> -> memref<64x512xf32, #tpu.memory_space<hbm>>
    %dma_wait3A_334 = arith.constant 0 : i32
    %dma_wait3A_335 = arith.constant 0 : i32
    %dma_wait3A_336 = tpu.memref_slice %arg9[%dma_wait3A_324, %dma_wait3A_334, %dma_wait3A_335] : memref<3x256x128xf32, #tpu.memory_space<vmem>> -> memref<1x256x128xf32, #tpu.memory_space<vmem>>
    %dma_wait3A_337 = tpu.memref_squeeze %dma_wait3A_336 : memref<1x256x128xf32, #tpu.memory_space<vmem>> -> memref<256x128xf32, #tpu.memory_space<vmem>>
    %dma_wait3A_338 = tpu.memref_reshape %dma_wait3A_337 : memref<256x128xf32, #tpu.memory_space<vmem>> -> memref<64x512xf32, #tpu.memory_space<vmem>>
    tpu.wait_dma2 semaphore(%arg12 : memref<!tpu.dma_semaphore, #tpu.memory_space<semaphore_mem>>) src(%dma_wait3A_338 : memref<64x512xf32, #tpu.memory_space<vmem>>) dst(%dma_wait3A_333 : memref<64x512xf32, #tpu.memory_space<hbm>>)
    %dma_start3A_339 = arith.constant 10 : i32
    %dma_start3A_340 = arith.constant 2 : i32
    %dma_start3A_341 = arith.constant 0 : i32
    %dma_start3A_342 = arith.constant 0 : i32
    %dma_start3A_343 = tpu.memref_slice %arg9[%dma_start3A_340, %dma_start3A_341, %dma_start3A_342] : memref<3x256x128xf32, #tpu.memory_space<vmem>> -> memref<1x128x128xf32, #tpu.memory_space<vmem>>
    %dma_start3A_344 = tpu.memref_squeeze %dma_start3A_343 : memref<1x128x128xf32, #tpu.memory_space<vmem>> -> memref<128x128xf32, #tpu.memory_space<vmem>>
    %dma_start3A_345 = arith.constant 0 : i32
    %dma_start3A_346 = tpu.memref_slice %arg8[%dma_start3A_339, %dma_start3A_345] : memref<16x128xi32, #tpu.memory_space<vmem>> -> memref<1x128xi32, #tpu.memory_space<vmem>>
    %dma_start3A_347 = tpu.memref_squeeze %dma_start3A_346 : memref<1x128xi32, #tpu.memory_space<vmem>> -> memref<128xi32, #tpu.memory_space<vmem>>
    %dma_start3A_348 = arith.constant 0 : i32
    %dma_start3A_349 = arith.constant 0 : i32
    %dma_start3A_350 = tpu.memref_slice %arg10[%dma_start3A_348, %dma_start3A_349] : memref<224x128xf32, #tpu.memory_space<vmem_shared>> -> memref<224x128xf32, #tpu.memory_space<vmem_shared>>
    tpu.enqueue_indirect_dma source(%dma_start3A_350 : memref<224x128xf32, #tpu.memory_space<vmem_shared>>) target(%dma_start3A_344 : memref<128x128xf32, #tpu.memory_space<vmem>>) offsets(%dma_start3A_347 : memref<128xi32, #tpu.memory_space<vmem>>) semaphore(%arg11 : memref<!tpu.dma_semaphore, #tpu.memory_space<semaphore_mem>>)
    %dma_start3A_351 = arith.constant 11 : i32
    %dma_start3A_352 = arith.constant 2 : i32
    %dma_start3A_353 = arith.constant 128 : i32
    %dma_start3A_354 = arith.constant 0 : i32
    %dma_start3A_355 = tpu.memref_slice %arg9[%dma_start3A_352, %dma_start3A_353, %dma_start3A_354] : memref<3x256x128xf32, #tpu.memory_space<vmem>> -> memref<1x128x128xf32, #tpu.memory_space<vmem>>
    %dma_start3A_356 = tpu.memref_squeeze %dma_start3A_355 : memref<1x128x128xf32, #tpu.memory_space<vmem>> -> memref<128x128xf32, #tpu.memory_space<vmem>>
    %dma_start3A_357 = arith.constant 0 : i32
    %dma_start3A_358 = tpu.memref_slice %arg8[%dma_start3A_351, %dma_start3A_357] : memref<16x128xi32, #tpu.memory_space<vmem>> -> memref<1x128xi32, #tpu.memory_space<vmem>>
    %dma_start3A_359 = tpu.memref_squeeze %dma_start3A_358 : memref<1x128xi32, #tpu.memory_space<vmem>> -> memref<128xi32, #tpu.memory_space<vmem>>
    %dma_start3A_360 = arith.constant 0 : i32
    %dma_start3A_361 = arith.constant 0 : i32
    %dma_start3A_362 = tpu.memref_slice %arg10[%dma_start3A_360, %dma_start3A_361] : memref<224x128xf32, #tpu.memory_space<vmem_shared>> -> memref<224x128xf32, #tpu.memory_space<vmem_shared>>
    tpu.enqueue_indirect_dma source(%dma_start3A_362 : memref<224x128xf32, #tpu.memory_space<vmem_shared>>) target(%dma_start3A_356 : memref<128x128xf32, #tpu.memory_space<vmem>>) offsets(%dma_start3A_359 : memref<128xi32, #tpu.memory_space<vmem>>) semaphore(%arg11 : memref<!tpu.dma_semaphore, #tpu.memory_space<semaphore_mem>>)
    %dma_wait3A_363 = arith.constant 8 : i32
    %dma_wait3A_364 = arith.constant 1 : i32
    %dma_wait3A_365 = arith.constant 0 : i32
    %dma_wait3A_366 = arith.constant 0 : i32
    %dma_wait3A_367 = tpu.memref_slice %arg9[%dma_wait3A_364, %dma_wait3A_365, %dma_wait3A_366] : memref<3x256x128xf32, #tpu.memory_space<vmem>> -> memref<1x128x128xf32, #tpu.memory_space<vmem>>
    %dma_wait3A_368 = tpu.memref_squeeze %dma_wait3A_367 : memref<1x128x128xf32, #tpu.memory_space<vmem>> -> memref<128x128xf32, #tpu.memory_space<vmem>>
    %dma_wait3A_369 = arith.constant 0 : i32
    %dma_wait3A_370 = tpu.memref_slice %arg8[%dma_wait3A_363, %dma_wait3A_369] : memref<16x128xi32, #tpu.memory_space<vmem>> -> memref<1x128xi32, #tpu.memory_space<vmem>>
    %dma_wait3A_371 = tpu.memref_squeeze %dma_wait3A_370 : memref<1x128xi32, #tpu.memory_space<vmem>> -> memref<128xi32, #tpu.memory_space<vmem>>
    %dma_wait3A_372 = arith.constant 0 : i32
    %dma_wait3A_373 = arith.constant 0 : i32
    %dma_wait3A_374 = tpu.memref_slice %arg10[%dma_wait3A_372, %dma_wait3A_373] : memref<224x128xf32, #tpu.memory_space<vmem_shared>> -> memref<224x128xf32, #tpu.memory_space<vmem_shared>>
    tpu.wait_indirect_dma semaphore(%arg11 : memref<!tpu.dma_semaphore, #tpu.memory_space<semaphore_mem>>) src(%dma_wait3A_374 : memref<224x128xf32, #tpu.memory_space<vmem_shared>>) dst(%dma_wait3A_368 : memref<128x128xf32, #tpu.memory_space<vmem>>)
    %dma_wait3A_375 = arith.constant 9 : i32
    %dma_wait3A_376 = arith.constant 1 : i32
    %dma_wait3A_377 = arith.constant 128 : i32
    %dma_wait3A_378 = arith.constant 0 : i32
    %dma_wait3A_379 = tpu.memref_slice %arg9[%dma_wait3A_376, %dma_wait3A_377, %dma_wait3A_378] : memref<3x256x128xf32, #tpu.memory_space<vmem>> -> memref<1x128x128xf32, #tpu.memory_space<vmem>>
    %dma_wait3A_380 = tpu.memref_squeeze %dma_wait3A_379 : memref<1x128x128xf32, #tpu.memory_space<vmem>> -> memref<128x128xf32, #tpu.memory_space<vmem>>
    %dma_wait3A_381 = arith.constant 0 : i32
    %dma_wait3A_382 = tpu.memref_slice %arg8[%dma_wait3A_375, %dma_wait3A_381] : memref<16x128xi32, #tpu.memory_space<vmem>> -> memref<1x128xi32, #tpu.memory_space<vmem>>
    %dma_wait3A_383 = tpu.memref_squeeze %dma_wait3A_382 : memref<1x128xi32, #tpu.memory_space<vmem>> -> memref<128xi32, #tpu.memory_space<vmem>>
    %dma_wait3A_384 = arith.constant 0 : i32
    %dma_wait3A_385 = arith.constant 0 : i32
    %dma_wait3A_386 = tpu.memref_slice %arg10[%dma_wait3A_384, %dma_wait3A_385] : memref<224x128xf32, #tpu.memory_space<vmem_shared>> -> memref<224x128xf32, #tpu.memory_space<vmem_shared>>
    tpu.wait_indirect_dma semaphore(%arg11 : memref<!tpu.dma_semaphore, #tpu.memory_space<semaphore_mem>>) src(%dma_wait3A_386 : memref<224x128xf32, #tpu.memory_space<vmem_shared>>) dst(%dma_wait3A_380 : memref<128x128xf32, #tpu.memory_space<vmem>>)
    %add3A_387 = arith.constant 256 : i32
    %add3A_388 = arith.addi %multiple_of3A, %add3A_387 : i32
    %dma_start3A_389 = arith.constant 1 : i32
    %dma_start3A_390 = arith.constant 0 : i32
    %dma_start3A_391 = arith.constant 0 : i32
    %dma_start3A_392 = tpu.memref_slice %arg9[%dma_start3A_389, %dma_start3A_390, %dma_start3A_391] : memref<3x256x128xf32, #tpu.memory_space<vmem>> -> memref<1x256x128xf32, #tpu.memory_space<vmem>>
    %dma_start3A_393 = tpu.memref_squeeze %dma_start3A_392 : memref<1x256x128xf32, #tpu.memory_space<vmem>> -> memref<256x128xf32, #tpu.memory_space<vmem>>
    %dma_start3A_394 = tpu.memref_reshape %dma_start3A_393 : memref<256x128xf32, #tpu.memory_space<vmem>> -> memref<64x512xf32, #tpu.memory_space<vmem>>
    %dma_start3A_395 = arith.constant 0 : i32
    %dma_start3A_396 = tpu.memref_slice %arg7[%add3A_388, %dma_start3A_395] : memref<16384x512xf32, #tpu.memory_space<hbm>> -> memref<64x512xf32, #tpu.memory_space<hbm>>
    %dma_start3A_397 = arith.constant 0 : i32
    %dma_start3A_398 = tpu.memref_slice %arg7[%add3A_388, %dma_start3A_397] : memref<16384x512xf32, #tpu.memory_space<hbm>> -> memref<64x512xf32, #tpu.memory_space<hbm>>
    %dma_start3A_399 = arith.constant 0 : i32
    %dma_start3A_400 = arith.constant 0 : i32
    %dma_start3A_401 = tpu.memref_slice %arg9[%dma_start3A_389, %dma_start3A_399, %dma_start3A_400] : memref<3x256x128xf32, #tpu.memory_space<vmem>> -> memref<1x256x128xf32, #tpu.memory_space<vmem>>
    %dma_start3A_402 = tpu.memref_squeeze %dma_start3A_401 : memref<1x256x128xf32, #tpu.memory_space<vmem>> -> memref<256x128xf32, #tpu.memory_space<vmem>>
    %dma_start3A_403 = tpu.memref_reshape %dma_start3A_402 : memref<256x128xf32, #tpu.memory_space<vmem>> -> memref<64x512xf32, #tpu.memory_space<vmem>>
    tpu.enqueue_dma source(%dma_start3A_403 : memref<64x512xf32, #tpu.memory_space<vmem>>) target(%dma_start3A_398 : memref<64x512xf32, #tpu.memory_space<hbm>>) target_semaphore(%arg12 : memref<!tpu.dma_semaphore, #tpu.memory_space<semaphore_mem>>)
    %dma_wait3A_404 = arith.constant 0 : i32
    %dma_wait3A_405 = arith.constant 0 : i32
    %dma_wait3A_406 = arith.constant 0 : i32
    %dma_wait3A_407 = tpu.memref_slice %arg9[%dma_wait3A_404, %dma_wait3A_405, %dma_wait3A_406] : memref<3x256x128xf32, #tpu.memory_space<vmem>> -> memref<1x256x128xf32, #tpu.memory_space<vmem>>
    %dma_wait3A_408 = tpu.memref_squeeze %dma_wait3A_407 : memref<1x256x128xf32, #tpu.memory_space<vmem>> -> memref<256x128xf32, #tpu.memory_space<vmem>>
    %dma_wait3A_409 = tpu.memref_reshape %dma_wait3A_408 : memref<256x128xf32, #tpu.memory_space<vmem>> -> memref<64x512xf32, #tpu.memory_space<vmem>>
    %dma_wait3A_410 = arith.constant 0 : i32
    %dma_wait3A_411 = tpu.memref_slice %arg7[%add3A_308, %dma_wait3A_410] : memref<16384x512xf32, #tpu.memory_space<hbm>> -> memref<64x512xf32, #tpu.memory_space<hbm>>
    %dma_wait3A_412 = arith.constant 0 : i32
    %dma_wait3A_413 = tpu.memref_slice %arg7[%add3A_308, %dma_wait3A_412] : memref<16384x512xf32, #tpu.memory_space<hbm>> -> memref<64x512xf32, #tpu.memory_space<hbm>>
    %dma_wait3A_414 = arith.constant 0 : i32
    %dma_wait3A_415 = arith.constant 0 : i32
    %dma_wait3A_416 = tpu.memref_slice %arg9[%dma_wait3A_404, %dma_wait3A_414, %dma_wait3A_415] : memref<3x256x128xf32, #tpu.memory_space<vmem>> -> memref<1x256x128xf32, #tpu.memory_space<vmem>>
    %dma_wait3A_417 = tpu.memref_squeeze %dma_wait3A_416 : memref<1x256x128xf32, #tpu.memory_space<vmem>> -> memref<256x128xf32, #tpu.memory_space<vmem>>
    %dma_wait3A_418 = tpu.memref_reshape %dma_wait3A_417 : memref<256x128xf32, #tpu.memory_space<vmem>> -> memref<64x512xf32, #tpu.memory_space<vmem>>
    tpu.wait_dma2 semaphore(%arg12 : memref<!tpu.dma_semaphore, #tpu.memory_space<semaphore_mem>>) src(%dma_wait3A_418 : memref<64x512xf32, #tpu.memory_space<vmem>>) dst(%dma_wait3A_413 : memref<64x512xf32, #tpu.memory_space<hbm>>)
    %dma_start3A_419 = arith.constant 12 : i32
    %dma_start3A_420 = arith.constant 0 : i32
    %dma_start3A_421 = arith.constant 0 : i32
    %dma_start3A_422 = arith.constant 0 : i32
    %dma_start3A_423 = tpu.memref_slice %arg9[%dma_start3A_420, %dma_start3A_421, %dma_start3A_422] : memref<3x256x128xf32, #tpu.memory_space<vmem>> -> memref<1x128x128xf32, #tpu.memory_space<vmem>>
    %dma_start3A_424 = tpu.memref_squeeze %dma_start3A_423 : memref<1x128x128xf32, #tpu.memory_space<vmem>> -> memref<128x128xf32, #tpu.memory_space<vmem>>
    %dma_start3A_425 = arith.constant 0 : i32
    %dma_start3A_426 = tpu.memref_slice %arg8[%dma_start3A_419, %dma_start3A_425] : memref<16x128xi32, #tpu.memory_space<vmem>> -> memref<1x128xi32, #tpu.memory_space<vmem>>
    %dma_start3A_427 = tpu.memref_squeeze %dma_start3A_426 : memref<1x128xi32, #tpu.memory_space<vmem>> -> memref<128xi32, #tpu.memory_space<vmem>>
    %dma_start3A_428 = arith.constant 0 : i32
    %dma_start3A_429 = arith.constant 0 : i32
    %dma_start3A_430 = tpu.memref_slice %arg10[%dma_start3A_428, %dma_start3A_429] : memref<224x128xf32, #tpu.memory_space<vmem_shared>> -> memref<224x128xf32, #tpu.memory_space<vmem_shared>>
    tpu.enqueue_indirect_dma source(%dma_start3A_430 : memref<224x128xf32, #tpu.memory_space<vmem_shared>>) target(%dma_start3A_424 : memref<128x128xf32, #tpu.memory_space<vmem>>) offsets(%dma_start3A_427 : memref<128xi32, #tpu.memory_space<vmem>>) semaphore(%arg11 : memref<!tpu.dma_semaphore, #tpu.memory_space<semaphore_mem>>)
    %dma_start3A_431 = arith.constant 13 : i32
    %dma_start3A_432 = arith.constant 0 : i32
    %dma_start3A_433 = arith.constant 128 : i32
    %dma_start3A_434 = arith.constant 0 : i32
    %dma_start3A_435 = tpu.memref_slice %arg9[%dma_start3A_432, %dma_start3A_433, %dma_start3A_434] : memref<3x256x128xf32, #tpu.memory_space<vmem>> -> memref<1x128x128xf32, #tpu.memory_space<vmem>>
    %dma_start3A_436 = tpu.memref_squeeze %dma_start3A_435 : memref<1x128x128xf32, #tpu.memory_space<vmem>> -> memref<128x128xf32, #tpu.memory_space<vmem>>
    %dma_start3A_437 = arith.constant 0 : i32
    %dma_start3A_438 = tpu.memref_slice %arg8[%dma_start3A_431, %dma_start3A_437] : memref<16x128xi32, #tpu.memory_space<vmem>> -> memref<1x128xi32, #tpu.memory_space<vmem>>
    %dma_start3A_439 = tpu.memref_squeeze %dma_start3A_438 : memref<1x128xi32, #tpu.memory_space<vmem>> -> memref<128xi32, #tpu.memory_space<vmem>>
    %dma_start3A_440 = arith.constant 0 : i32
    %dma_start3A_441 = arith.constant 0 : i32
    %dma_start3A_442 = tpu.memref_slice %arg10[%dma_start3A_440, %dma_start3A_441] : memref<224x128xf32, #tpu.memory_space<vmem_shared>> -> memref<224x128xf32, #tpu.memory_space<vmem_shared>>
    tpu.enqueue_indirect_dma source(%dma_start3A_442 : memref<224x128xf32, #tpu.memory_space<vmem_shared>>) target(%dma_start3A_436 : memref<128x128xf32, #tpu.memory_space<vmem>>) offsets(%dma_start3A_439 : memref<128xi32, #tpu.memory_space<vmem>>) semaphore(%arg11 : memref<!tpu.dma_semaphore, #tpu.memory_space<semaphore_mem>>)
    %dma_wait3A_443 = arith.constant 10 : i32
    %dma_wait3A_444 = arith.constant 2 : i32
    %dma_wait3A_445 = arith.constant 0 : i32
    %dma_wait3A_446 = arith.constant 0 : i32
    %dma_wait3A_447 = tpu.memref_slice %arg9[%dma_wait3A_444, %dma_wait3A_445, %dma_wait3A_446] : memref<3x256x128xf32, #tpu.memory_space<vmem>> -> memref<1x128x128xf32, #tpu.memory_space<vmem>>
    %dma_wait3A_448 = tpu.memref_squeeze %dma_wait3A_447 : memref<1x128x128xf32, #tpu.memory_space<vmem>> -> memref<128x128xf32, #tpu.memory_space<vmem>>
    %dma_wait3A_449 = arith.constant 0 : i32
    %dma_wait3A_450 = tpu.memref_slice %arg8[%dma_wait3A_443, %dma_wait3A_449] : memref<16x128xi32, #tpu.memory_space<vmem>> -> memref<1x128xi32, #tpu.memory_space<vmem>>
    %dma_wait3A_451 = tpu.memref_squeeze %dma_wait3A_450 : memref<1x128xi32, #tpu.memory_space<vmem>> -> memref<128xi32, #tpu.memory_space<vmem>>
    %dma_wait3A_452 = arith.constant 0 : i32
    %dma_wait3A_453 = arith.constant 0 : i32
    %dma_wait3A_454 = tpu.memref_slice %arg10[%dma_wait3A_452, %dma_wait3A_453] : memref<224x128xf32, #tpu.memory_space<vmem_shared>> -> memref<224x128xf32, #tpu.memory_space<vmem_shared>>
    tpu.wait_indirect_dma semaphore(%arg11 : memref<!tpu.dma_semaphore, #tpu.memory_space<semaphore_mem>>) src(%dma_wait3A_454 : memref<224x128xf32, #tpu.memory_space<vmem_shared>>) dst(%dma_wait3A_448 : memref<128x128xf32, #tpu.memory_space<vmem>>)
    %dma_wait3A_455 = arith.constant 11 : i32
    %dma_wait3A_456 = arith.constant 2 : i32
    %dma_wait3A_457 = arith.constant 128 : i32
    %dma_wait3A_458 = arith.constant 0 : i32
    %dma_wait3A_459 = tpu.memref_slice %arg9[%dma_wait3A_456, %dma_wait3A_457, %dma_wait3A_458] : memref<3x256x128xf32, #tpu.memory_space<vmem>> -> memref<1x128x128xf32, #tpu.memory_space<vmem>>
    %dma_wait3A_460 = tpu.memref_squeeze %dma_wait3A_459 : memref<1x128x128xf32, #tpu.memory_space<vmem>> -> memref<128x128xf32, #tpu.memory_space<vmem>>
    %dma_wait3A_461 = arith.constant 0 : i32
    %dma_wait3A_462 = tpu.memref_slice %arg8[%dma_wait3A_455, %dma_wait3A_461] : memref<16x128xi32, #tpu.memory_space<vmem>> -> memref<1x128xi32, #tpu.memory_space<vmem>>
    %dma_wait3A_463 = tpu.memref_squeeze %dma_wait3A_462 : memref<1x128xi32, #tpu.memory_space<vmem>> -> memref<128xi32, #tpu.memory_space<vmem>>
    %dma_wait3A_464 = arith.constant 0 : i32
    %dma_wait3A_465 = arith.constant 0 : i32
    %dma_wait3A_466 = tpu.memref_slice %arg10[%dma_wait3A_464, %dma_wait3A_465] : memref<224x128xf32, #tpu.memory_space<vmem_shared>> -> memref<224x128xf32, #tpu.memory_space<vmem_shared>>
    tpu.wait_indirect_dma semaphore(%arg11 : memref<!tpu.dma_semaphore, #tpu.memory_space<semaphore_mem>>) src(%dma_wait3A_466 : memref<224x128xf32, #tpu.memory_space<vmem_shared>>) dst(%dma_wait3A_460 : memref<128x128xf32, #tpu.memory_space<vmem>>)
    %add3A_467 = arith.constant 320 : i32
    %add3A_468 = arith.addi %multiple_of3A, %add3A_467 : i32
    %dma_start3A_469 = arith.constant 2 : i32
    %dma_start3A_470 = arith.constant 0 : i32
    %dma_start3A_471 = arith.constant 0 : i32
    %dma_start3A_472 = tpu.memref_slice %arg9[%dma_start3A_469, %dma_start3A_470, %dma_start3A_471] : memref<3x256x128xf32, #tpu.memory_space<vmem>> -> memref<1x256x128xf32, #tpu.memory_space<vmem>>
    %dma_start3A_473 = tpu.memref_squeeze %dma_start3A_472 : memref<1x256x128xf32, #tpu.memory_space<vmem>> -> memref<256x128xf32, #tpu.memory_space<vmem>>
    %dma_start3A_474 = tpu.memref_reshape %dma_start3A_473 : memref<256x128xf32, #tpu.memory_space<vmem>> -> memref<64x512xf32, #tpu.memory_space<vmem>>
    %dma_start3A_475 = arith.constant 0 : i32
    %dma_start3A_476 = tpu.memref_slice %arg7[%add3A_468, %dma_start3A_475] : memref<16384x512xf32, #tpu.memory_space<hbm>> -> memref<64x512xf32, #tpu.memory_space<hbm>>
    %dma_start3A_477 = arith.constant 0 : i32
    %dma_start3A_478 = tpu.memref_slice %arg7[%add3A_468, %dma_start3A_477] : memref<16384x512xf32, #tpu.memory_space<hbm>> -> memref<64x512xf32, #tpu.memory_space<hbm>>
    %dma_start3A_479 = arith.constant 0 : i32
    %dma_start3A_480 = arith.constant 0 : i32
    %dma_start3A_481 = tpu.memref_slice %arg9[%dma_start3A_469, %dma_start3A_479, %dma_start3A_480] : memref<3x256x128xf32, #tpu.memory_space<vmem>> -> memref<1x256x128xf32, #tpu.memory_space<vmem>>
    %dma_start3A_482 = tpu.memref_squeeze %dma_start3A_481 : memref<1x256x128xf32, #tpu.memory_space<vmem>> -> memref<256x128xf32, #tpu.memory_space<vmem>>
    %dma_start3A_483 = tpu.memref_reshape %dma_start3A_482 : memref<256x128xf32, #tpu.memory_space<vmem>> -> memref<64x512xf32, #tpu.memory_space<vmem>>
    tpu.enqueue_dma source(%dma_start3A_483 : memref<64x512xf32, #tpu.memory_space<vmem>>) target(%dma_start3A_478 : memref<64x512xf32, #tpu.memory_space<hbm>>) target_semaphore(%arg12 : memref<!tpu.dma_semaphore, #tpu.memory_space<semaphore_mem>>)
    %dma_wait3A_484 = arith.constant 1 : i32
    %dma_wait3A_485 = arith.constant 0 : i32
    %dma_wait3A_486 = arith.constant 0 : i32
    %dma_wait3A_487 = tpu.memref_slice %arg9[%dma_wait3A_484, %dma_wait3A_485, %dma_wait3A_486] : memref<3x256x128xf32, #tpu.memory_space<vmem>> -> memref<1x256x128xf32, #tpu.memory_space<vmem>>
    %dma_wait3A_488 = tpu.memref_squeeze %dma_wait3A_487 : memref<1x256x128xf32, #tpu.memory_space<vmem>> -> memref<256x128xf32, #tpu.memory_space<vmem>>
    %dma_wait3A_489 = tpu.memref_reshape %dma_wait3A_488 : memref<256x128xf32, #tpu.memory_space<vmem>> -> memref<64x512xf32, #tpu.memory_space<vmem>>
    %dma_wait3A_490 = arith.constant 0 : i32
    %dma_wait3A_491 = tpu.memref_slice %arg7[%add3A_388, %dma_wait3A_490] : memref<16384x512xf32, #tpu.memory_space<hbm>> -> memref<64x512xf32, #tpu.memory_space<hbm>>
    %dma_wait3A_492 = arith.constant 0 : i32
    %dma_wait3A_493 = tpu.memref_slice %arg7[%add3A_388, %dma_wait3A_492] : memref<16384x512xf32, #tpu.memory_space<hbm>> -> memref<64x512xf32, #tpu.memory_space<hbm>>
    %dma_wait3A_494 = arith.constant 0 : i32
    %dma_wait3A_495 = arith.constant 0 : i32
    %dma_wait3A_496 = tpu.memref_slice %arg9[%dma_wait3A_484, %dma_wait3A_494, %dma_wait3A_495] : memref<3x256x128xf32, #tpu.memory_space<vmem>> -> memref<1x256x128xf32, #tpu.memory_space<vmem>>
    %dma_wait3A_497 = tpu.memref_squeeze %dma_wait3A_496 : memref<1x256x128xf32, #tpu.memory_space<vmem>> -> memref<256x128xf32, #tpu.memory_space<vmem>>
    %dma_wait3A_498 = tpu.memref_reshape %dma_wait3A_497 : memref<256x128xf32, #tpu.memory_space<vmem>> -> memref<64x512xf32, #tpu.memory_space<vmem>>
    tpu.wait_dma2 semaphore(%arg12 : memref<!tpu.dma_semaphore, #tpu.memory_space<semaphore_mem>>) src(%dma_wait3A_498 : memref<64x512xf32, #tpu.memory_space<vmem>>) dst(%dma_wait3A_493 : memref<64x512xf32, #tpu.memory_space<hbm>>)
    %dma_start3A_499 = arith.constant 14 : i32
    %dma_start3A_500 = arith.constant 1 : i32
    %dma_start3A_501 = arith.constant 0 : i32
    %dma_start3A_502 = arith.constant 0 : i32
    %dma_start3A_503 = tpu.memref_slice %arg9[%dma_start3A_500, %dma_start3A_501, %dma_start3A_502] : memref<3x256x128xf32, #tpu.memory_space<vmem>> -> memref<1x128x128xf32, #tpu.memory_space<vmem>>
    %dma_start3A_504 = tpu.memref_squeeze %dma_start3A_503 : memref<1x128x128xf32, #tpu.memory_space<vmem>> -> memref<128x128xf32, #tpu.memory_space<vmem>>
    %dma_start3A_505 = arith.constant 0 : i32
    %dma_start3A_506 = tpu.memref_slice %arg8[%dma_start3A_499, %dma_start3A_505] : memref<16x128xi32, #tpu.memory_space<vmem>> -> memref<1x128xi32, #tpu.memory_space<vmem>>
    %dma_start3A_507 = tpu.memref_squeeze %dma_start3A_506 : memref<1x128xi32, #tpu.memory_space<vmem>> -> memref<128xi32, #tpu.memory_space<vmem>>
    %dma_start3A_508 = arith.constant 0 : i32
    %dma_start3A_509 = arith.constant 0 : i32
    %dma_start3A_510 = tpu.memref_slice %arg10[%dma_start3A_508, %dma_start3A_509] : memref<224x128xf32, #tpu.memory_space<vmem_shared>> -> memref<224x128xf32, #tpu.memory_space<vmem_shared>>
    tpu.enqueue_indirect_dma source(%dma_start3A_510 : memref<224x128xf32, #tpu.memory_space<vmem_shared>>) target(%dma_start3A_504 : memref<128x128xf32, #tpu.memory_space<vmem>>) offsets(%dma_start3A_507 : memref<128xi32, #tpu.memory_space<vmem>>) semaphore(%arg11 : memref<!tpu.dma_semaphore, #tpu.memory_space<semaphore_mem>>)
    %dma_start3A_511 = arith.constant 15 : i32
    %dma_start3A_512 = arith.constant 1 : i32
    %dma_start3A_513 = arith.constant 128 : i32
    %dma_start3A_514 = arith.constant 0 : i32
    %dma_start3A_515 = tpu.memref_slice %arg9[%dma_start3A_512, %dma_start3A_513, %dma_start3A_514] : memref<3x256x128xf32, #tpu.memory_space<vmem>> -> memref<1x128x128xf32, #tpu.memory_space<vmem>>
    %dma_start3A_516 = tpu.memref_squeeze %dma_start3A_515 : memref<1x128x128xf32, #tpu.memory_space<vmem>> -> memref<128x128xf32, #tpu.memory_space<vmem>>
    %dma_start3A_517 = arith.constant 0 : i32
    %dma_start3A_518 = tpu.memref_slice %arg8[%dma_start3A_511, %dma_start3A_517] : memref<16x128xi32, #tpu.memory_space<vmem>> -> memref<1x128xi32, #tpu.memory_space<vmem>>
    %dma_start3A_519 = tpu.memref_squeeze %dma_start3A_518 : memref<1x128xi32, #tpu.memory_space<vmem>> -> memref<128xi32, #tpu.memory_space<vmem>>
    %dma_start3A_520 = arith.constant 0 : i32
    %dma_start3A_521 = arith.constant 0 : i32
    %dma_start3A_522 = tpu.memref_slice %arg10[%dma_start3A_520, %dma_start3A_521] : memref<224x128xf32, #tpu.memory_space<vmem_shared>> -> memref<224x128xf32, #tpu.memory_space<vmem_shared>>
    tpu.enqueue_indirect_dma source(%dma_start3A_522 : memref<224x128xf32, #tpu.memory_space<vmem_shared>>) target(%dma_start3A_516 : memref<128x128xf32, #tpu.memory_space<vmem>>) offsets(%dma_start3A_519 : memref<128xi32, #tpu.memory_space<vmem>>) semaphore(%arg11 : memref<!tpu.dma_semaphore, #tpu.memory_space<semaphore_mem>>)
    %dma_wait3A_523 = arith.constant 12 : i32
    %dma_wait3A_524 = arith.constant 0 : i32
    %dma_wait3A_525 = arith.constant 0 : i32
    %dma_wait3A_526 = arith.constant 0 : i32
    %dma_wait3A_527 = tpu.memref_slice %arg9[%dma_wait3A_524, %dma_wait3A_525, %dma_wait3A_526] : memref<3x256x128xf32, #tpu.memory_space<vmem>> -> memref<1x128x128xf32, #tpu.memory_space<vmem>>
    %dma_wait3A_528 = tpu.memref_squeeze %dma_wait3A_527 : memref<1x128x128xf32, #tpu.memory_space<vmem>> -> memref<128x128xf32, #tpu.memory_space<vmem>>
    %dma_wait3A_529 = arith.constant 0 : i32
    %dma_wait3A_530 = tpu.memref_slice %arg8[%dma_wait3A_523, %dma_wait3A_529] : memref<16x128xi32, #tpu.memory_space<vmem>> -> memref<1x128xi32, #tpu.memory_space<vmem>>
    %dma_wait3A_531 = tpu.memref_squeeze %dma_wait3A_530 : memref<1x128xi32, #tpu.memory_space<vmem>> -> memref<128xi32, #tpu.memory_space<vmem>>
    %dma_wait3A_532 = arith.constant 0 : i32
    %dma_wait3A_533 = arith.constant 0 : i32
    %dma_wait3A_534 = tpu.memref_slice %arg10[%dma_wait3A_532, %dma_wait3A_533] : memref<224x128xf32, #tpu.memory_space<vmem_shared>> -> memref<224x128xf32, #tpu.memory_space<vmem_shared>>
    tpu.wait_indirect_dma semaphore(%arg11 : memref<!tpu.dma_semaphore, #tpu.memory_space<semaphore_mem>>) src(%dma_wait3A_534 : memref<224x128xf32, #tpu.memory_space<vmem_shared>>) dst(%dma_wait3A_528 : memref<128x128xf32, #tpu.memory_space<vmem>>)
    %dma_wait3A_535 = arith.constant 13 : i32
    %dma_wait3A_536 = arith.constant 0 : i32
    %dma_wait3A_537 = arith.constant 128 : i32
    %dma_wait3A_538 = arith.constant 0 : i32
    %dma_wait3A_539 = tpu.memref_slice %arg9[%dma_wait3A_536, %dma_wait3A_537, %dma_wait3A_538] : memref<3x256x128xf32, #tpu.memory_space<vmem>> -> memref<1x128x128xf32, #tpu.memory_space<vmem>>
    %dma_wait3A_540 = tpu.memref_squeeze %dma_wait3A_539 : memref<1x128x128xf32, #tpu.memory_space<vmem>> -> memref<128x128xf32, #tpu.memory_space<vmem>>
    %dma_wait3A_541 = arith.constant 0 : i32
    %dma_wait3A_542 = tpu.memref_slice %arg8[%dma_wait3A_535, %dma_wait3A_541] : memref<16x128xi32, #tpu.memory_space<vmem>> -> memref<1x128xi32, #tpu.memory_space<vmem>>
    %dma_wait3A_543 = tpu.memref_squeeze %dma_wait3A_542 : memref<1x128xi32, #tpu.memory_space<vmem>> -> memref<128xi32, #tpu.memory_space<vmem>>
    %dma_wait3A_544 = arith.constant 0 : i32
    %dma_wait3A_545 = arith.constant 0 : i32
    %dma_wait3A_546 = tpu.memref_slice %arg10[%dma_wait3A_544, %dma_wait3A_545] : memref<224x128xf32, #tpu.memory_space<vmem_shared>> -> memref<224x128xf32, #tpu.memory_space<vmem_shared>>
    tpu.wait_indirect_dma semaphore(%arg11 : memref<!tpu.dma_semaphore, #tpu.memory_space<semaphore_mem>>) src(%dma_wait3A_546 : memref<224x128xf32, #tpu.memory_space<vmem_shared>>) dst(%dma_wait3A_540 : memref<128x128xf32, #tpu.memory_space<vmem>>)
    %add3A_547 = arith.constant 384 : i32
    %add3A_548 = arith.addi %multiple_of3A, %add3A_547 : i32
    %dma_start3A_549 = arith.constant 0 : i32
    %dma_start3A_550 = arith.constant 0 : i32
    %dma_start3A_551 = arith.constant 0 : i32
    %dma_start3A_552 = tpu.memref_slice %arg9[%dma_start3A_549, %dma_start3A_550, %dma_start3A_551] : memref<3x256x128xf32, #tpu.memory_space<vmem>> -> memref<1x256x128xf32, #tpu.memory_space<vmem>>
    %dma_start3A_553 = tpu.memref_squeeze %dma_start3A_552 : memref<1x256x128xf32, #tpu.memory_space<vmem>> -> memref<256x128xf32, #tpu.memory_space<vmem>>
    %dma_start3A_554 = tpu.memref_reshape %dma_start3A_553 : memref<256x128xf32, #tpu.memory_space<vmem>> -> memref<64x512xf32, #tpu.memory_space<vmem>>
    %dma_start3A_555 = arith.constant 0 : i32
    %dma_start3A_556 = tpu.memref_slice %arg7[%add3A_548, %dma_start3A_555] : memref<16384x512xf32, #tpu.memory_space<hbm>> -> memref<64x512xf32, #tpu.memory_space<hbm>>
    %dma_start3A_557 = arith.constant 0 : i32
    %dma_start3A_558 = tpu.memref_slice %arg7[%add3A_548, %dma_start3A_557] : memref<16384x512xf32, #tpu.memory_space<hbm>> -> memref<64x512xf32, #tpu.memory_space<hbm>>
    %dma_start3A_559 = arith.constant 0 : i32
    %dma_start3A_560 = arith.constant 0 : i32
    %dma_start3A_561 = tpu.memref_slice %arg9[%dma_start3A_549, %dma_start3A_559, %dma_start3A_560] : memref<3x256x128xf32, #tpu.memory_space<vmem>> -> memref<1x256x128xf32, #tpu.memory_space<vmem>>
    %dma_start3A_562 = tpu.memref_squeeze %dma_start3A_561 : memref<1x256x128xf32, #tpu.memory_space<vmem>> -> memref<256x128xf32, #tpu.memory_space<vmem>>
    %dma_start3A_563 = tpu.memref_reshape %dma_start3A_562 : memref<256x128xf32, #tpu.memory_space<vmem>> -> memref<64x512xf32, #tpu.memory_space<vmem>>
    tpu.enqueue_dma source(%dma_start3A_563 : memref<64x512xf32, #tpu.memory_space<vmem>>) target(%dma_start3A_558 : memref<64x512xf32, #tpu.memory_space<hbm>>) target_semaphore(%arg12 : memref<!tpu.dma_semaphore, #tpu.memory_space<semaphore_mem>>)
    %dma_wait3A_564 = arith.constant 14 : i32
    %dma_wait3A_565 = arith.constant 1 : i32
    %dma_wait3A_566 = arith.constant 0 : i32
    %dma_wait3A_567 = arith.constant 0 : i32
    %dma_wait3A_568 = tpu.memref_slice %arg9[%dma_wait3A_565, %dma_wait3A_566, %dma_wait3A_567] : memref<3x256x128xf32, #tpu.memory_space<vmem>> -> memref<1x128x128xf32, #tpu.memory_space<vmem>>
    %dma_wait3A_569 = tpu.memref_squeeze %dma_wait3A_568 : memref<1x128x128xf32, #tpu.memory_space<vmem>> -> memref<128x128xf32, #tpu.memory_space<vmem>>
    %dma_wait3A_570 = arith.constant 0 : i32
    %dma_wait3A_571 = tpu.memref_slice %arg8[%dma_wait3A_564, %dma_wait3A_570] : memref<16x128xi32, #tpu.memory_space<vmem>> -> memref<1x128xi32, #tpu.memory_space<vmem>>
    %dma_wait3A_572 = tpu.memref_squeeze %dma_wait3A_571 : memref<1x128xi32, #tpu.memory_space<vmem>> -> memref<128xi32, #tpu.memory_space<vmem>>
    %dma_wait3A_573 = arith.constant 0 : i32
    %dma_wait3A_574 = arith.constant 0 : i32
    %dma_wait3A_575 = tpu.memref_slice %arg10[%dma_wait3A_573, %dma_wait3A_574] : memref<224x128xf32, #tpu.memory_space<vmem_shared>> -> memref<224x128xf32, #tpu.memory_space<vmem_shared>>
    tpu.wait_indirect_dma semaphore(%arg11 : memref<!tpu.dma_semaphore, #tpu.memory_space<semaphore_mem>>) src(%dma_wait3A_575 : memref<224x128xf32, #tpu.memory_space<vmem_shared>>) dst(%dma_wait3A_569 : memref<128x128xf32, #tpu.memory_space<vmem>>)
    %dma_wait3A_576 = arith.constant 15 : i32
    %dma_wait3A_577 = arith.constant 1 : i32
    %dma_wait3A_578 = arith.constant 128 : i32
    %dma_wait3A_579 = arith.constant 0 : i32
    %dma_wait3A_580 = tpu.memref_slice %arg9[%dma_wait3A_577, %dma_wait3A_578, %dma_wait3A_579] : memref<3x256x128xf32, #tpu.memory_space<vmem>> -> memref<1x128x128xf32, #tpu.memory_space<vmem>>
    %dma_wait3A_581 = tpu.memref_squeeze %dma_wait3A_580 : memref<1x128x128xf32, #tpu.memory_space<vmem>> -> memref<128x128xf32, #tpu.memory_space<vmem>>
    %dma_wait3A_582 = arith.constant 0 : i32
    %dma_wait3A_583 = tpu.memref_slice %arg8[%dma_wait3A_576, %dma_wait3A_582] : memref<16x128xi32, #tpu.memory_space<vmem>> -> memref<1x128xi32, #tpu.memory_space<vmem>>
    %dma_wait3A_584 = tpu.memref_squeeze %dma_wait3A_583 : memref<1x128xi32, #tpu.memory_space<vmem>> -> memref<128xi32, #tpu.memory_space<vmem>>
    %dma_wait3A_585 = arith.constant 0 : i32
    %dma_wait3A_586 = arith.constant 0 : i32
    %dma_wait3A_587 = tpu.memref_slice %arg10[%dma_wait3A_585, %dma_wait3A_586] : memref<224x128xf32, #tpu.memory_space<vmem_shared>> -> memref<224x128xf32, #tpu.memory_space<vmem_shared>>
    tpu.wait_indirect_dma semaphore(%arg11 : memref<!tpu.dma_semaphore, #tpu.memory_space<semaphore_mem>>) src(%dma_wait3A_587 : memref<224x128xf32, #tpu.memory_space<vmem_shared>>) dst(%dma_wait3A_581 : memref<128x128xf32, #tpu.memory_space<vmem>>)
    %add3A_588 = arith.constant 448 : i32
    %add3A_589 = arith.addi %multiple_of3A, %add3A_588 : i32
    %dma_start3A_590 = arith.constant 1 : i32
    %dma_start3A_591 = arith.constant 0 : i32
    %dma_start3A_592 = arith.constant 0 : i32
    %dma_start3A_593 = tpu.memref_slice %arg9[%dma_start3A_590, %dma_start3A_591, %dma_start3A_592] : memref<3x256x128xf32, #tpu.memory_space<vmem>> -> memref<1x256x128xf32, #tpu.memory_space<vmem>>
    %dma_start3A_594 = tpu.memref_squeeze %dma_start3A_593 : memref<1x256x128xf32, #tpu.memory_space<vmem>> -> memref<256x128xf32, #tpu.memory_space<vmem>>
    %dma_start3A_595 = tpu.memref_reshape %dma_start3A_594 : memref<256x128xf32, #tpu.memory_space<vmem>> -> memref<64x512xf32, #tpu.memory_space<vmem>>
    %dma_start3A_596 = arith.constant 0 : i32
    %dma_start3A_597 = tpu.memref_slice %arg7[%add3A_589, %dma_start3A_596] : memref<16384x512xf32, #tpu.memory_space<hbm>> -> memref<64x512xf32, #tpu.memory_space<hbm>>
    %dma_start3A_598 = arith.constant 0 : i32
    %dma_start3A_599 = tpu.memref_slice %arg7[%add3A_589, %dma_start3A_598] : memref<16384x512xf32, #tpu.memory_space<hbm>> -> memref<64x512xf32, #tpu.memory_space<hbm>>
    %dma_start3A_600 = arith.constant 0 : i32
    %dma_start3A_601 = arith.constant 0 : i32
    %dma_start3A_602 = tpu.memref_slice %arg9[%dma_start3A_590, %dma_start3A_600, %dma_start3A_601] : memref<3x256x128xf32, #tpu.memory_space<vmem>> -> memref<1x256x128xf32, #tpu.memory_space<vmem>>
    %dma_start3A_603 = tpu.memref_squeeze %dma_start3A_602 : memref<1x256x128xf32, #tpu.memory_space<vmem>> -> memref<256x128xf32, #tpu.memory_space<vmem>>
    %dma_start3A_604 = tpu.memref_reshape %dma_start3A_603 : memref<256x128xf32, #tpu.memory_space<vmem>> -> memref<64x512xf32, #tpu.memory_space<vmem>>
    tpu.enqueue_dma source(%dma_start3A_604 : memref<64x512xf32, #tpu.memory_space<vmem>>) target(%dma_start3A_599 : memref<64x512xf32, #tpu.memory_space<hbm>>) target_semaphore(%arg12 : memref<!tpu.dma_semaphore, #tpu.memory_space<semaphore_mem>>)
    %dma_wait3A_605 = arith.constant 2 : i32
    %dma_wait3A_606 = arith.constant 0 : i32
    %dma_wait3A_607 = arith.constant 0 : i32
    %dma_wait3A_608 = tpu.memref_slice %arg9[%dma_wait3A_605, %dma_wait3A_606, %dma_wait3A_607] : memref<3x256x128xf32, #tpu.memory_space<vmem>> -> memref<1x256x128xf32, #tpu.memory_space<vmem>>
    %dma_wait3A_609 = tpu.memref_squeeze %dma_wait3A_608 : memref<1x256x128xf32, #tpu.memory_space<vmem>> -> memref<256x128xf32, #tpu.memory_space<vmem>>
    %dma_wait3A_610 = tpu.memref_reshape %dma_wait3A_609 : memref<256x128xf32, #tpu.memory_space<vmem>> -> memref<64x512xf32, #tpu.memory_space<vmem>>
    %dma_wait3A_611 = arith.constant 0 : i32
    %dma_wait3A_612 = tpu.memref_slice %arg7[%add3A_468, %dma_wait3A_611] : memref<16384x512xf32, #tpu.memory_space<hbm>> -> memref<64x512xf32, #tpu.memory_space<hbm>>
    %dma_wait3A_613 = arith.constant 0 : i32
    %dma_wait3A_614 = tpu.memref_slice %arg7[%add3A_468, %dma_wait3A_613] : memref<16384x512xf32, #tpu.memory_space<hbm>> -> memref<64x512xf32, #tpu.memory_space<hbm>>
    %dma_wait3A_615 = arith.constant 0 : i32
    %dma_wait3A_616 = arith.constant 0 : i32
    %dma_wait3A_617 = tpu.memref_slice %arg9[%dma_wait3A_605, %dma_wait3A_615, %dma_wait3A_616] : memref<3x256x128xf32, #tpu.memory_space<vmem>> -> memref<1x256x128xf32, #tpu.memory_space<vmem>>
    %dma_wait3A_618 = tpu.memref_squeeze %dma_wait3A_617 : memref<1x256x128xf32, #tpu.memory_space<vmem>> -> memref<256x128xf32, #tpu.memory_space<vmem>>
    %dma_wait3A_619 = tpu.memref_reshape %dma_wait3A_618 : memref<256x128xf32, #tpu.memory_space<vmem>> -> memref<64x512xf32, #tpu.memory_space<vmem>>
    tpu.wait_dma2 semaphore(%arg12 : memref<!tpu.dma_semaphore, #tpu.memory_space<semaphore_mem>>) src(%dma_wait3A_619 : memref<64x512xf32, #tpu.memory_space<vmem>>) dst(%dma_wait3A_614 : memref<64x512xf32, #tpu.memory_space<hbm>>)
    %dma_wait3A_620 = arith.constant 0 : i32
    %dma_wait3A_621 = arith.constant 0 : i32
    %dma_wait3A_622 = arith.constant 0 : i32
    %dma_wait3A_623 = tpu.memref_slice %arg9[%dma_wait3A_620, %dma_wait3A_621, %dma_wait3A_622] : memref<3x256x128xf32, #tpu.memory_space<vmem>> -> memref<1x256x128xf32, #tpu.memory_space<vmem>>
    %dma_wait3A_624 = tpu.memref_squeeze %dma_wait3A_623 : memref<1x256x128xf32, #tpu.memory_space<vmem>> -> memref<256x128xf32, #tpu.memory_space<vmem>>
    %dma_wait3A_625 = tpu.memref_reshape %dma_wait3A_624 : memref<256x128xf32, #tpu.memory_space<vmem>> -> memref<64x512xf32, #tpu.memory_space<vmem>>
    %dma_wait3A_626 = arith.constant 0 : i32
    %dma_wait3A_627 = tpu.memref_slice %arg7[%add3A_548, %dma_wait3A_626] : memref<16384x512xf32, #tpu.memory_space<hbm>> -> memref<64x512xf32, #tpu.memory_space<hbm>>
    %dma_wait3A_628 = arith.constant 0 : i32
    %dma_wait3A_629 = tpu.memref_slice %arg7[%add3A_548, %dma_wait3A_628] : memref<16384x512xf32, #tpu.memory_space<hbm>> -> memref<64x512xf32, #tpu.memory_space<hbm>>
    %dma_wait3A_630 = arith.constant 0 : i32
    %dma_wait3A_631 = arith.constant 0 : i32
    %dma_wait3A_632 = tpu.memref_slice %arg9[%dma_wait3A_620, %dma_wait3A_630, %dma_wait3A_631] : memref<3x256x128xf32, #tpu.memory_space<vmem>> -> memref<1x256x128xf32, #tpu.memory_space<vmem>>
    %dma_wait3A_633 = tpu.memref_squeeze %dma_wait3A_632 : memref<1x256x128xf32, #tpu.memory_space<vmem>> -> memref<256x128xf32, #tpu.memory_space<vmem>>
    %dma_wait3A_634 = tpu.memref_reshape %dma_wait3A_633 : memref<256x128xf32, #tpu.memory_space<vmem>> -> memref<64x512xf32, #tpu.memory_space<vmem>>
    tpu.wait_dma2 semaphore(%arg12 : memref<!tpu.dma_semaphore, #tpu.memory_space<semaphore_mem>>) src(%dma_wait3A_634 : memref<64x512xf32, #tpu.memory_space<vmem>>) dst(%dma_wait3A_629 : memref<64x512xf32, #tpu.memory_space<hbm>>)
    %dma_wait3A_635 = arith.constant 1 : i32
    %dma_wait3A_636 = arith.constant 0 : i32
    %dma_wait3A_637 = arith.constant 0 : i32
    %dma_wait3A_638 = tpu.memref_slice %arg9[%dma_wait3A_635, %dma_wait3A_636, %dma_wait3A_637] : memref<3x256x128xf32, #tpu.memory_space<vmem>> -> memref<1x256x128xf32, #tpu.memory_space<vmem>>
    %dma_wait3A_639 = tpu.memref_squeeze %dma_wait3A_638 : memref<1x256x128xf32, #tpu.memory_space<vmem>> -> memref<256x128xf32, #tpu.memory_space<vmem>>
    %dma_wait3A_640 = tpu.memref_reshape %dma_wait3A_639 : memref<256x128xf32, #tpu.memory_space<vmem>> -> memref<64x512xf32, #tpu.memory_space<vmem>>
    %dma_wait3A_641 = arith.constant 0 : i32
    %dma_wait3A_642 = tpu.memref_slice %arg7[%add3A_589, %dma_wait3A_641] : memref<16384x512xf32, #tpu.memory_space<hbm>> -> memref<64x512xf32, #tpu.memory_space<hbm>>
    %dma_wait3A_643 = arith.constant 0 : i32
    %dma_wait3A_644 = tpu.memref_slice %arg7[%add3A_589, %dma_wait3A_643] : memref<16384x512xf32, #tpu.memory_space<hbm>> -> memref<64x512xf32, #tpu.memory_space<hbm>>
    %dma_wait3A_645 = arith.constant 0 : i32
    %dma_wait3A_646 = arith.constant 0 : i32
    %dma_wait3A_647 = tpu.memref_slice %arg9[%dma_wait3A_635, %dma_wait3A_645, %dma_wait3A_646] : memref<3x256x128xf32, #tpu.memory_space<vmem>> -> memref<1x256x128xf32, #tpu.memory_space<vmem>>
    %dma_wait3A_648 = tpu.memref_squeeze %dma_wait3A_647 : memref<1x256x128xf32, #tpu.memory_space<vmem>> -> memref<256x128xf32, #tpu.memory_space<vmem>>
    %dma_wait3A_649 = tpu.memref_reshape %dma_wait3A_648 : memref<256x128xf32, #tpu.memory_space<vmem>> -> memref<64x512xf32, #tpu.memory_space<vmem>>
    tpu.wait_dma2 semaphore(%arg12 : memref<!tpu.dma_semaphore, #tpu.memory_space<semaphore_mem>>) src(%dma_wait3A_649 : memref<64x512xf32, #tpu.memory_space<vmem>>) dst(%dma_wait3A_644 : memref<64x512xf32, #tpu.memory_space<hbm>>)
    return
  }
}

</mosaic_0001>

<sc_bundles>
// kernel: kernel.3.cloned.1.call-start
scs
__scs_entry_jumppad:
0x0: {  	(pc) =	sbr.rel $0x88, $3  }
0x1: {  	(tag) =	ssettag $0x0;
	lr =	simm.s32 $0x1  }
0x2: {  	[smem:$0x3F9B] =	sst lr;
	_ =	strace $0xD0000000  }
0x3: {  	_ = 	snop  }
0x4: {  	_ = 	snop  }
0x5: {  	_ = 	snop  }
0x6: {  	_ = 	snop  }
0x7: {  	_ = 	snop  }
__scs_overlays_trampoline_lowered:
0x8: {  	[smem:$0x3FAA] =	sst s0  }
0x9: {  	[smem:$0x3FAB] =	sst s1  }
0xa: {  	[smem:$0x3FAC] =	sst s2  }
0xb: {  	[smem:$0x3FAD] =	sst s3  }
0xc: {  	[smem:$0x3FAE] =	sst s4  }
0xd: {  	[smem:$0x3FAF] =	sst s5  }
0xe: {  	[smem:$0x3FB0] =	sst s6  }
0xf: {  	[smem:$0x3FB1] =	sst s7  }
0x10: {  	[smem:$0x3FB2] =	sst s8  }
0x11: {  	[smem:$0x3FB3] =	sst s9;
	s0 =	simm.s32 @!p0 $0x0  }
0x12: {  	s1 =	sld [smem:$0x3F99];
	s0 =	simm.s32 @p0 $0x1  }
0x13: {  	[smem:$0x3FB4] =	sst s0;
	s0 =	simm.s32 @!p1 $0x0  }
0x14: {  	s2 =	sld [smem:$0x3F98];
	s0 =	simm.s32 @p1 $0x1  }
0x15: {  	[smem:$0x3FB5] =	sst s0;
	s0 =	simm.s32 @!p2 $0x0  }
0x16: {  	s3 =	sld [smem:$0x3FDB];
	s0 =	simm.s32 @p2 $0x1  }
0x17: {  	s4 =	simm.s32 $0x1BF5;
	[smem:$0x3FB7] =	sst s0  }
0x18: {  	s0 =	sld [smem:$0x3F9A];
	_ =	swait.ge [sflag:s4], $0x0  }
0x19: {  	s7 =	sld [smem:$0x3F9B]  }
0x1a: {  	s8 =	sadd.s32 $0xFFFFE003, lr  }
0x1b: {  	s9 =	sadd.s32 $0xFFFFFEF7, lr;
	s5 =	simm.s32 $0xFFFFFFFF;
	p2 =	slt.u32 s8, $0xFFFFF086  }
0x1c: {  	p1 =	slt.u32 s9, $0xF7A;
	s5 =	simm.s32 @!p2 $0x0  }
0x1d: {  	s5 =	simm.s32 @p1 $0x1;
	p0 =	seq.s32 s7, s2  }
0x1e: {  	s7 =	smul.u32 @!p0 $0xF7A, s2;
	p2 =	seq.s32 @!p0 s5, $0x0  }
0x1f: {  	s9 =	smul.u32 $0xF7A, s1;
	s8 =	simm.s32 @!p0 $0x1BF5;
	p2 =	por !p2, p0  }
0x20: {  	[sflag:s8] =	ssyncset.s32 @!p0 $0xFFFFF086;
	s6 =	sadd.s32 @!p0 s3, s7;
	s7 =	simm.s32 @!p0 $0x108  }
0x21: {  	s3 =	sadd.s32 s3, s9;
	s6 =	sadd.s32 @!p0 $0x88, s6;
	s7 =	simm.s32 @p2 $0x1082  }
0x22: {  	[simem:s7], [sflag:s8] =	dma.local @!p0 [hbm:s6], $0xF7A  }
0x23: {  	s9 =	sor.u32 $0xD0000000, s2;
	s6 =	simm.s32 $0x108;
	_ =	swait.ge @!p0 [sflag:s8], $0x0  }
0x24: {  	s3 =	sadd.s32 $0x88, s3;
	s6 =	simm.s32 @!p1 $0x1082;
	[sflag:s4] =	ssyncset.s32 $0xFFFFF086  }
0x25: {  	[simem:s6], [sflag:s4] =	dma.local [hbm:s3], $0xF7A  }
0x26: {  	[smem:$0x3F9B] =	sst s1;
	(tag) =	ssettag s2;
	_ =	strace s9  }
0x27: {  	s1 =	sld [smem:$0x3FAB]  }
0x28: {  	s2 =	sld [smem:$0x3FAC]  }
0x29: {  	s4 =	sld [smem:$0x3FAE]  }
0x2a: {  	p0 =	seq.s32 s5, $0x0;
	s5 =	sld [smem:$0x3FAF]  }
0x2b: {  	s6 =	sld [smem:$0x3FB0]  }
0x2c: {  	s7 =	sld [smem:$0x3FB1]  }
0x2d: {  	s3 =	simm.s32 $0x108;
	s8 =	sld [smem:$0x3FB2]  }
0x2e: {  	s3 =	simm.s32 @!p0 $0x1082;
	s9 =	sld [smem:$0x3FB3]  }
0x2f: {  	lr =	sadd.s32 s0, s3;
	s0 =	sld [smem:$0x3FAA]  }
0x30: {  	s3 =	sld [smem:$0x3FAD]  }
0x31: {  	[smem:$0x3FB6] =	sst s10  }
0x32: {  	s10 =	sld [smem:$0x3FB4];
	_ =	sdelay $0x3  }
0x33: {  	p0 =	seq.s32 s10, $0x1;
	s10 =	sld [smem:$0x3FB6];
	_ =	sdelay $0x3  }
0x34: {  	[smem:$0x3FB6] =	sst s10  }
0x35: {  	s10 =	sld [smem:$0x3FB5];
	_ =	sdelay $0x3  }
0x36: {  	p1 =	seq.s32 s10, $0x1;
	s10 =	sld [smem:$0x3FB6];
	_ =	sdelay $0x3  }
0x37: {  	[smem:$0x3FB6] =	sst s10  }
0x38: {  	s10 =	sld [smem:$0x3FB7]  }
0x39: {  	_ = 	snop;
	(pc) =	sbr.ind lr, $3  }
0x3a: {  	_ = 	snop  }
0x3b: {  	_ = 	snop  }
0x3c: {  	p2 =	seq.s32 s10, $0x1;
	s10 =	sld [smem:$0x3FB6]  }
0x3d: {  	_ =	shalt  }
0x3e: {  	_ =	shalt  }
0x3f: {  	_ =	shalt  }
0x40: {  	_ =	shalt  }
0x41: {  	_ =	shalt  }
0x42: {  	_ =	shalt  }
0x43: {  	_ =	shalt  }
0x44: {  	_ =	shalt  }
0x45: {  	_ =	shalt  }
0x46: {  	_ =	shalt  }
0x47: {  	_ =	shalt  }
0x48: {  	_ =	shalt  }
0x49: {  	_ =	shalt  }
0x4a: {  	_ =	shalt  }
0x4b: {  	_ =	shalt  }
0x4c: {  	_ =	shalt  }
0x4d: {  	_ =	shalt  }
0x4e: {  	_ =	shalt  }
0x4f: {  	_ =	shalt  }
0x50: {  	_ =	shalt  }
0x51: {  	_ =	shalt  }
0x52: {  	_ =	shalt  }
0x53: {  	_ =	shalt  }
0x54: {  	_ =	shalt  }
0x55: {  	_ =	shalt  }
0x56: {  	_ =	shalt  }
0x57: {  	_ =	shalt  }
0x58: {  	_ =	shalt  }
0x59: {  	_ =	shalt  }
0x5a: {  	_ =	shalt  }
0x5b: {  	_ =	shalt  }
0x5c: {  	_ =	shalt  }
0x5d: {  	_ =	shalt  }
0x5e: {  	_ =	shalt  }
0x5f: {  	_ =	shalt  }
0x60: {  	_ =	shalt  }
0x61: {  	_ =	shalt  }
0x62: {  	_ =	shalt  }
0x63: {  	_ =	shalt  }
0x64: {  	_ =	shalt  }
0x65: {  	_ =	shalt  }
0x66: {  	_ =	shalt  }
0x67: {  	_ =	shalt  }
0x68: {  	_ =	shalt  }
0x69: {  	_ =	shalt  }
0x6a: {  	_ =	shalt  }
0x6b: {  	_ =	shalt  }
0x6c: {  	_ =	shalt  }
0x6d: {  	_ =	shalt  }
0x6e: {  	_ =	shalt  }
0x6f: {  	_ =	shalt  }
0x70: {  	_ =	shalt  }
0x71: {  	_ =	shalt  }
0x72: {  	_ =	shalt  }
0x73: {  	_ =	shalt  }
0x74: {  	_ =	shalt  }
0x75: {  	_ =	shalt  }
0x76: {  	_ =	shalt  }
0x77: {  	_ =	shalt  }
0x78: {  	_ =	shalt  }
0x79: {  	_ =	shalt  }
0x7a: {  	_ =	shalt  }
0x7b: {  	_ =	shalt  }
0x7c: {  	_ =	shalt  }
0x7d: {  	_ =	shalt  }
0x7e: {  	_ =	shalt  }
0x7f: {  	_ =	shalt  }
0x80: {  	_ =	shalt  }
0x81: {  	_ =	shalt  }
0x82: {  	_ =	shalt  }
0x83: {  	_ =	shalt  }
0x84: {  	_ =	shalt  }
0x85: {  	_ =	shalt  }
0x86: {  	_ =	shalt  }
0x87: {  	_ =	shalt  }
.Lfunc_end0:
.L_simem_size_0:
called_computation_lowered:
.L_overlay_start_0:
0x88: {  	s2 =	sld [smem:$0x3FD9]  }
0x89: {  	s3 =	sld [smem:$0x3FFE];
	_ =	sdelay $0x1  }
0x8a: {  	s1 =	srdreg.scid  }
0x8b: {  	s0 =	sand.u32 $0x1, s1  }
0x8c: {  	s17 =	sshll.u32 s0, $0xA;
	s2 =	sadd.s32 s3, s2  }
0x8d: {  	s2 =	sadd.s32 s2, s17  }
0x8e: {  	[smem:$0x3FC2] =	sst s2  }
0x8f: {  	_ = 	snop  }
0x90: {  	s2 =	sld [smem:$0x3FC7]  }
0x91: {  	s18 =	sld [smem:$0x3FC6]  }
0x92: {  	s4 =	sld [smem:$0x3FC5]  }
0x93: {  	s5 =	sld [smem:$0x3FC4]  }
0x94: {  	s6 =	sld [smem:$0x3FD0];
	(tm) =	ssettm $0x1  }
0x95: {  	s7 =	sld [smem:$0x3FFB];
	_ =	sdelay $0x3  }
0x96: {  	_ =	strace s7  }
0x97: {  	s7 =	sld [smem:$0x3FFC];
	_ =	sdelay $0x3  }
0x98: {  	_ =	strace s7  }
0x99: {  	s7 =	sld [smem:$0x3FFD];
	_ =	sdelay $0x3  }
0x9a: {  	_ =	strace s7  }
0x9b: {  	_ =	strace $0x8FFFFFFF  }
0x9c: {  	s19 =	sld [smem:$0x3FDB];
	_ =	sdelay $0x1  }
0x9d: {  	s8 =	simm.s32 $_scs_section_size  }
0x9e: {  	s9 =	simm.s32 $_size__tile_overlayer_lowered;
	s10 =	simm.s32 $_tile_overlayer_lowered  }
0x9f: {  	s22 =	simm.s32 $0x1BFF;
	s21 =	sshll.u32 s10, $0x1;
	s7 =	sadd.s32 s8, s19  }
0xa0: {  	s11 =	simm.s32 $0x0;
	s20 =	sshll.u32 s9, $0x1;
	s9 =	sadd.s32 s21, s7  }
0xa1: {  	[timem:s11], [sflag:s22] =	dma.local [hbm:s9], s20  }
0xa2: {  	_ =	swait.ge [sflag:s22], s20  }
0xa3: {  	s8 =	ssub.s32 $0x0, s20;
	[sflag:s22] =	ssyncset.done $0x0  }
0xa4: {  	[sflag:s22] =	ssyncadd.s32 s8;
	_ =	sdelay $0x1  }
0xa5: {  	s23 =	simm.s32 $0x1B8B  }
0xa6: {  	_ =	swait.ge [sflag:s23], $0x1  }
0xa7: {  	[sflag:s23] =	ssyncset.done $0x0  }
0xa8: {  	s25 =	simm.s32 $0x1B8E;
	s24 =	sld [smem:$0x3FFE];
	[sflag:s23] =	ssyncadd.s32 $0xFFFFFFFF  }
0xa9: {  	s26 =	simm.s32 $execute0_lowered;
	[smem:$0x3FD2] =	sst s25  }
0xaa: {  	s9 =	sshll.u32 s26, $0x1;
	_ =	strace $0x80000046;
	[dreg:$0x1] =	wrdreg $0xFFFFFFFF  }
0xab: {  	s28 =	simm.s32 $_size_execute0_lowered;
	s7 =	sadd.s32 s7, s9;
	[dreg:$0x0] =	wrdreg $0x0  }
0xac: {  	s9 =	sshll.u32 s28, $0x1;
	[dreg:$0x2] =	wrdreg s7  }
0xad: {  	[dreg:$0x3] =	wrdreg s9  }
0xae: {  	[dreg:$0x4] =	wrdreg $0xC0  }
0xaf: {  	_ =	task [dreg:s11], $0x5FFFF  }
0xb0: {  	[dreg:$0x1] =	wrdreg $0xFFFFFFFF  }
0xb1: {  	[dreg:$0x0] =	wrdreg $0x60  }
0xb2: {  	[dreg:$0x2] =	wrdreg s24  }
0xb3: {  	[dreg:$0x3] =	wrdreg s18  }
0xb4: {  	[dreg:$0x4] =	wrdreg s2  }
0xb5: {  	[dreg:$0x5] =	wrdreg s5  }
0xb6: {  	[dreg:$0x6] =	wrdreg s4  }
0xb7: {  	[dreg:$0x7] =	wrdreg s6  }
0xb8: {  	[dreg:$0x8] =	wrdreg $0x188000  }
0xb9: {  	[dreg:$0x9] =	wrdreg $0x9  }
0xba: {  	_ =	task.clear_ibuf [dreg:s11], $0xAFFFF;
	_ =	strace $0x90000046  }
0xbb: {  	s29 =	simm.s32 $0x9;
	_ =	strace $0x80000048  }
0xbc: {  	_ =	swait.ge [sflag:s29], $0x1  }
0xbd: {  	[sflag:s29] =	ssyncadd.s32 $0xFFFFFFFF  }
0xbe: {  	_ =	strace $0x90000048  }
0xbf: {  	_ =	sfence  }
0xc0: {  	s30 =	sld [smem:$0x0];
	_ =	sdelay $0x2  }
0xc1: {  	s31 =	sshll.u32 s1, $0xD;
	s1 =	sshrl.u32 s1, $0x2  }
0xc2: {  	s3 =	sand.u32 $0x4000, s31;
	s1 =	sadd.s32 s1, s30  }
0xc3: {  	s0 =	sor.u32 s3, s0;
	s1 =	sshll.u32 s1, $0x11  }
0xc4: {  	s0 =	sor.u32 s1, s0  }
0xc5: {  	s0 =	sadd.s32 $0x8F2B, s0  }
0xc6: {  	[sflag:s0] =	ssyncadd.remote.s32 $0x1  }
0xc7: {  	_ =	sfence.sel $0xFFFF  }
0xc8: {  	[dreg:$0x0] =	wrdreg $0xFFFFFFFF;
	(pc) =	sbr.abs _section_cstart, $3  }
0xc9: {  	[dreg:$0x1] =	wrdreg $0xFFFFFFFF  }
0xca: {  	_ =	task.clear_ibuf [dreg:s11], $0x2FFFF;
	_ =	strace $0x9FFFFFFF  }
0xcb: {  	(tm) =	ssettm $0x7FFFFFFF  }
tec
execute0_lowered:
.L_overlay_start_1:
0x0: {  	(tag) =	ssettag $0x1  }
0x1: {  	s0 =	rddreg [dreg:$0x0]  }
0x2: {  	s1 =	rddreg [dreg:$0x5]  }
0x3: {  	s5 =	rddreg [dreg:$0x6]  }
0x4: {  	s2 =	srdreg.scid;
	s3 =	stileid.u32  }
0x5: {  	s6 =	simm.s32 $0x0;
	s21 =	simm.s32 $0x80;
	s22 =	simm.s32 $0x800  }
0x6: {  	s23 =	simm.s32 $0x4800;
	s25 =	simm.s32 $0x8800;
	s28 =	simm.s32 $0xC800  }
0x7: {  	s29 =	simm.s32 $0x1;
	s30 =	simm.s32 $0x400;
	s26 =	simm.s32 $0x0  }
0x8: {  	s2 =	sand.u32 $0x1, s2;
	s4 =	sshll.u32 s3, $0x1;
	[smem:$0x7FF] =	sst s6  }
0x9: {  	p0 =	sne.s32 s3, $0x0;
	s3 =	simm.s32 $0x2;
	s4 =	sor.u32 s2, s4  }
0xa: {  	s2 =	ssub.s32 $0x2, s2;
	_ =	strace $0x80000047;
	s17 =	sshrl.u32 @!p0 s5, $0x3  }
0xb: {  	s31 =	sshll.u32 s4, $0x8;
	s7 =	sshrl.u32 s2, $0x1;
	s4 =	sshll.u32 s4, $0xF  }
0xc: {  	s0 =	sadd.s32 s31, s0;
	s2 =	ssub.s32 s2, s7;
	s8 =	sadd.s32 s1, s4  }
0xd: {  	s1 =	sadd.s32 $0x3800, s5;
	s4 =	sadd.s32 $0x5400, s5;
	s7 =	sadd.s32 $0x400, s0  }
0xe: {  	s0 =	sadd.s32 $0x1C00, s5;
	s9 =	sadd.s32 $0x1000, s8;
	s10 =	sadd.s32 $0x2000, s8  }
0xf: {  	s11 =	sadd.s32 $0x3000, s8;
	s12 =	sadd.s32 $0x4000, s8;
	s13 =	sadd.s32 $0x5000, s8  }
0x10: {  	s14 =	sadd.s32 $0x6000, s8;
	s15 =	sadd.s32 $0x7000, s8;
	s2 =	smax.u32 s2, $0x1  }
0x11: {  	s19 =	sshrl.u32 @!p0 s1, $0x3;
	s20 =	sshrl.u32 @!p0 s4, $0x3;
	s1 =	simm.s32 $0x10800  }
0x12: {  	[dreg:$0x8] =	wrdreg s2;
	s18 =	sshrl.u32 @!p0 s0, $0x3;
	s2 =	simm.s32 $0x14800  }
.LBB2_1:
0x13: {  	s0 =	simm.s32 @p0 $0x0  }
0x14: {  	[tilespmem:s0], [sflag:$0x3] =	stream.linear.gather @p0 [hbm4b:s7+s0], $0x800, $0x38;
	[tilespmem:$0x18F00] =	vst v63  }
0x15: {  	s0 =	simm.s32 @p0 $0x3  }
0x16: {  	_ =	swait.ge @p0 [sflag:s0], $0x800  }
0x17: {  	[sflag:s0] =	ssyncset.done @p0 $0x0  }
0x18: {  	[sflag:s0] =	ssyncadd.s32 @p0 $0xFFFFF800  }
0x19: {  	s0 =	simm.s32 @!p0 $0x1C01;
	s4 =	rddreg [dreg:$0x1]  }
0x1a: {  	[spmem:s17], [sflag:s0] =	dma.local @!p0 [hbm:s4], $0x320  }
0x1b: {  	s4 =	rddreg [dreg:$0x2]  }
0x1c: {  	[spmem:s18], [sflag:s0] =	dma.local @!p0 [hbm:s4], $0x320  }
0x1d: {  	s4 =	rddreg [dreg:$0x3]  }
0x1e: {  	[spmem:s19], [sflag:s0] =	dma.local @!p0 [hbm:s4], $0x320  }
0x1f: {  	s4 =	rddreg [dreg:$0x4]  }
0x20: {  	[spmem:s20], [sflag:s0] =	dma.local @!p0 [hbm:s4], $0x320  }
0x21: {  	s0 =	simm.s32 @!p0 $0x0  }
0x22: {  	[tilespmem:s0], [sflag:$0x3] =	stream.linear.gather @!p0 [hbm4b:s7+s0], $0x800, $0x38;
	[tilespmem:$0x18F00] =	vst v63  }
0x23: {  	s0 =	simm.s32 @!p0 $0x3  }
0x24: {  	_ =	swait.ge @!p0 [sflag:s0], $0x800  }
0x25: {  	[sflag:s0] =	ssyncset.done @!p0 $0x0  }
0x26: {  	[sflag:s0] =	ssyncadd.s32 @!p0 $0xFFFFF800;
	s0 =	simm.s32 @!p0 $0x1  }
0x27: {  	_ =	swait.ge @!p0 [sflag:s0], $0x320  }
0x28: {  	[sflag:s0] =	ssyncset.done @!p0 $0x0  }
0x29: {  	[sflag:s0] =	ssyncadd.s32 @!p0 $0xFFFFFCE0  }
0x2a: {  	_ =	swait.ge @!p0 [sflag:s0], $0x320  }
0x2b: {  	[sflag:s0] =	ssyncset.done @!p0 $0x0  }
0x2c: {  	[sflag:s0] =	ssyncadd.s32 @!p0 $0xFFFFFCE0  }
0x2d: {  	_ =	swait.ge @!p0 [sflag:s0], $0x320  }
0x2e: {  	[sflag:s0] =	ssyncset.done @!p0 $0x0  }
0x2f: {  	[sflag:s0] =	ssyncadd.s32 @!p0 $0xFFFFFCE0  }
0x30: {  	_ =	swait.ge @!p0 [sflag:s0], $0x320  }
0x31: {  	[sflag:s0] =	ssyncset.done @!p0 $0x0  }
0x32: {  	[sflag:s0] =	ssyncadd.s32 @!p0 $0xFFFFFCE0  }
0x33: {  	s4 =	simm.s32 $0x0;
	[bflag:$0x0] =	sbarrier.arrive $0xFFFF  }
0x34: {  	[tilespmem:s22], [sflag:$0x1] =	stream.indirect.gather [spmem:s5], $0x80, s4, s21, $0xb8;
	[tilespmem:$0x18F00] =	vst v63  }
0x35: {  	_ = 	snop  }
0x36: {  	[tilespmem:s23], [sflag:$0x1] =	stream.indirect.gather [spmem:s5], $0x80, s21, s21, $0xb8;
	[tilespmem:$0x18F00] =	vst v63  }
0x37: {  	s6 =	simm.s32 $0x100  }
0x38: {  	[tilespmem:s25], [sflag:$0x1] =	stream.indirect.gather [spmem:s5], $0x80, s6, s21, $0xb8;
	[tilespmem:$0x18F00] =	vst v63  }
0x39: {  	s16 =	simm.s32 $0x180  }
0x3a: {  	[tilespmem:s28], [sflag:$0x1] =	stream.indirect.gather [spmem:s5], $0x80, s16, s21, $0xb8;
	[tilespmem:$0x18F00] =	vst v63  }
0x3b: {  	_ =	swait.ge [sflag:s29], $0x4000  }
0x3c: {  	[sflag:s29] =	ssyncset.done $0x0  }
0x3d: {  	[sflag:s29] =	ssyncadd.s32 $0xFFFFC000  }
0x3e: {  	_ =	swait.ge [sflag:s29], $0x4000  }
0x3f: {  	[sflag:s29] =	ssyncset.done $0x0  }
0x40: {  	s24 =	simm.s32 $0x800;
	[sflag:s29] =	ssyncadd.s32 $0xFFFFC000  }
0x41: {  	[hbm4b:s8+s21] =	stream.strided.scatter [tilespmem:s24], [sflag:$0x2], $0x200, s30, s21, $0x38;
	[tilespmem:$0x18F00] =	vst v63  }
0x42: {  	s4 =	simm.s32 $0xA00;
	s6 =	sadd.s32 $0x10, s8  }
0x43: {  	[hbm4b:s6+s21] =	stream.strided.scatter [tilespmem:s4], [sflag:$0x2], $0x200, s30, s21, $0x38;
	[tilespmem:$0x18F00] =	vst v63  }
0x44: {  	s16 =	simm.s32 $0xC00;
	s24 =	sadd.s32 $0x20, s8  }
0x45: {  	[hbm4b:s24+s21] =	stream.strided.scatter [tilespmem:s16], [sflag:$0x2], $0x200, s30, s21, $0x38;
	[tilespmem:$0x18F00] =	vst v63  }
0x46: {  	s4 =	simm.s32 $0xE00;
	s6 =	sadd.s32 $0x30, s8  }
0x47: {  	[hbm4b:s6+s21] =	stream.strided.scatter [tilespmem:s4], [sflag:$0x2], $0x200, s30, s21, $0x38;
	[tilespmem:$0x18F00] =	vst v63  }
0x48: {  	s16 =	simm.s32 $0x1000;
	s24 =	sadd.s32 $0x40, s8  }
0x49: {  	[hbm4b:s24+s21] =	stream.strided.scatter [tilespmem:s16], [sflag:$0x2], $0x200, s30, s21, $0x38;
	[tilespmem:$0x18F00] =	vst v63  }
0x4a: {  	s31 =	simm.s32 $0x1000;
	s4 =	simm.s32 $0x1200;
	s6 =	sadd.s32 $0x50, s8  }
0x4b: {  	[hbm4b:s6+s21] =	stream.strided.scatter [tilespmem:s4], [sflag:$0x2], $0x200, s30, s21, $0x38;
	[tilespmem:$0x18F00] =	vst v63  }
0x4c: {  	s0 =	sadd.s32 $0x200, s8;
	s16 =	simm.s32 $0x1400;
	s24 =	sadd.s32 $0x60, s8  }
0x4d: {  	[hbm4b:s24+s21] =	stream.strided.scatter [tilespmem:s16], [sflag:$0x2], $0x200, s30, s21, $0x38;
	[tilespmem:$0x18F00] =	vst v63  }
0x4e: {  	s4 =	simm.s32 $0x8000;
	s6 =	simm.s32 $0x1600;
	s24 =	sadd.s32 $0x70, s8  }
.LBB2_2:
0x4f: {  	[hbm4b:s24+s21] =	stream.strided.scatter [tilespmem:s6], [sflag:$0x2], $0x200, s30, s21, $0x38;
	[tilespmem:$0x18F00] =	vst v63  }
0x50: {  	s6 =	smov.u32 s31;
	s24 =	smov.u32 s4  }
0x51: {  	s16 =	sadd.s32 $0x4000, s4;
	s31 =	sshra.s32 s24, $0x2;
	s24 =	sadd.s32 $0x800, s6  }
0x52: {  	[hbm4b:s0+s21] =	stream.strided.scatter [tilespmem:s24], [sflag:$0x2], $0x200, s30, s21, $0x38;
	[tilespmem:$0x18F00] =	vst v63  }
0x53: {  	p1 =	sne.s32 s4, $0x1C000;
	s4 =	sadd.s32 $0xA00, s6;
	s24 =	sadd.s32 $0x10, s0  }
0x54: {  	[hbm4b:s24+s21] =	stream.strided.scatter [tilespmem:s4], [sflag:$0x2], $0x200, s30, s21, $0x38;
	[tilespmem:$0x18F00] =	vst v63  }
0x55: {  	s4 =	sadd.s32 $0xC00, s6;
	s24 =	sadd.s32 $0x20, s0  }
0x56: {  	[hbm4b:s24+s21] =	stream.strided.scatter [tilespmem:s4], [sflag:$0x2], $0x200, s30, s21, $0x38;
	[tilespmem:$0x18F00] =	vst v63  }
0x57: {  	s4 =	sadd.s32 $0xE00, s6;
	s24 =	sadd.s32 $0x30, s0  }
0x58: {  	[hbm4b:s24+s21] =	stream.strided.scatter [tilespmem:s4], [sflag:$0x2], $0x200, s30, s21, $0x38;
	[tilespmem:$0x18F00] =	vst v63  }
0x59: {  	s4 =	sadd.s32 $0x1000, s6;
	s24 =	sadd.s32 $0x40, s0  }
0x5a: {  	[hbm4b:s24+s21] =	stream.strided.scatter [tilespmem:s4], [sflag:$0x2], $0x200, s30, s21, $0x38;
	[tilespmem:$0x18F00] =	vst v63  }
.Ltmp0:
0x5b: {  	s4 =	sadd.s32 $0x1200, s6;
	s24 =	sadd.s32 $0x50, s0;
	(pc) =	sbr.rel @p1 .LBB2_2-.Ltmp0, $4  }
0x5c: {  	[hbm4b:s24+s21] =	stream.strided.scatter [tilespmem:s4], [sflag:$0x2], $0x200, s30, s21, $0x38;
	[tilespmem:$0x18F00] =	vst v63  }
0x5d: {  	s4 =	sadd.s32 $0x1400, s6;
	s24 =	sadd.s32 $0x60, s0;
	s6 =	sadd.s32 $0x1600, s6  }
0x5e: {  	[hbm4b:s24+s21] =	stream.strided.scatter [tilespmem:s4], [sflag:$0x2], $0x200, s30, s21, $0x38;
	[tilespmem:$0x18F00] =	vst v63  }
0x5f: {  	s24 =	sadd.s32 $0x70, s0;
	s0 =	sadd.s32 $0x200, s0;
	s4 =	smov.u32 s16  }
0x60: {  	[hbm4b:s24+s21] =	stream.strided.scatter [tilespmem:s6], [sflag:$0x2], $0x200, s30, s21, $0x38;
	[tilespmem:$0x18F00] =	vst v63  }
0x61: {  	s4 =	sadd.s32 $0x800, s31  }
0x62: {  	[hbm4b:s0+s21] =	stream.strided.scatter [tilespmem:s4], [sflag:$0x2], $0x200, s30, s21, $0x38;
	[tilespmem:$0x18F00] =	vst v63  }
0x63: {  	s16 =	sadd.s32 $0xA00, s31;
	s24 =	sadd.s32 $0x10, s0  }
0x64: {  	[hbm4b:s24+s21] =	stream.strided.scatter [tilespmem:s16], [sflag:$0x2], $0x200, s30, s21, $0x38;
	[tilespmem:$0x18F00] =	vst v63  }
0x65: {  	s16 =	sadd.s32 $0xC00, s31;
	s24 =	sadd.s32 $0x20, s0  }
0x66: {  	[hbm4b:s24+s21] =	stream.strided.scatter [tilespmem:s16], [sflag:$0x2], $0x200, s30, s21, $0x38;
	[tilespmem:$0x18F00] =	vst v63  }
0x67: {  	s16 =	sadd.s32 $0xE00, s31;
	s24 =	sadd.s32 $0x30, s0  }
0x68: {  	[hbm4b:s24+s21] =	stream.strided.scatter [tilespmem:s16], [sflag:$0x2], $0x200, s30, s21, $0x38;
	[tilespmem:$0x18F00] =	vst v63  }
0x69: {  	s16 =	sadd.s32 $0x1000, s31;
	s24 =	sadd.s32 $0x40, s0  }
0x6a: {  	[hbm4b:s24+s21] =	stream.strided.scatter [tilespmem:s16], [sflag:$0x2], $0x200, s30, s21, $0x38;
	[tilespmem:$0x18F00] =	vst v63  }
0x6b: {  	s16 =	sadd.s32 $0x1200, s31;
	s24 =	sadd.s32 $0x50, s0  }
0x6c: {  	[hbm4b:s24+s21] =	stream.strided.scatter [tilespmem:s16], [sflag:$0x2], $0x200, s30, s21, $0x38;
	[tilespmem:$0x18F00] =	vst v63  }
0x6d: {  	s16 =	sadd.s32 $0x1400, s31;
	s24 =	sadd.s32 $0x60, s0  }
0x6e: {  	[hbm4b:s24+s21] =	stream.strided.scatter [tilespmem:s16], [sflag:$0x2], $0x200, s30, s21, $0x38;
	[tilespmem:$0x18F00] =	vst v63  }
0x6f: {  	s16 =	sadd.s32 $0x1600, s31;
	s24 =	sadd.s32 $0x70, s0  }
0x70: {  	[hbm4b:s24+s21] =	stream.strided.scatter [tilespmem:s16], [sflag:$0x2], $0x200, s30, s21, $0x38;
	[tilespmem:$0x18F00] =	vst v63  }
0x71: {  	s6 =	simm.s32 $0x200  }
0x72: {  	[tilespmem:s1], [sflag:$0x1] =	stream.indirect.gather [spmem:s5], $0x80, s6, s21, $0xb8;
	[tilespmem:$0x18F00] =	vst v63  }
0x73: {  	s16 =	simm.s32 $0x280  }
0x74: {  	[tilespmem:s2], [sflag:$0x1] =	stream.indirect.gather [spmem:s5], $0x80, s16, s21, $0xb8;
	[tilespmem:$0x18F00] =	vst v63  }
0x75: {  	_ =	swait.ge [sflag:s29], $0x4000  }
0x76: {  	[sflag:s29] =	ssyncset.done $0x0  }
0x77: {  	[sflag:s29] =	ssyncadd.s32 $0xFFFFC000  }
0x78: {  	_ =	swait.ge [sflag:s29], $0x4000  }
0x79: {  	[sflag:s29] =	ssyncset.done $0x0  }
0x7a: {  	s24 =	simm.s32 $0x8800;
	[sflag:s29] =	ssyncadd.s32 $0xFFFFC000  }
0x7b: {  	[hbm4b:s9+s21] =	stream.strided.scatter [tilespmem:s24], [sflag:$0x2], $0x200, s30, s21, $0x38;
	[tilespmem:$0x18F00] =	vst v63  }
0x7c: {  	s4 =	simm.s32 $0x8A00;
	s6 =	sadd.s32 $0x10, s9  }
0x7d: {  	[hbm4b:s6+s21] =	stream.strided.scatter [tilespmem:s4], [sflag:$0x2], $0x200, s30, s21, $0x38;
	[tilespmem:$0x18F00] =	vst v63  }
0x7e: {  	s16 =	simm.s32 $0x8C00;
	s24 =	sadd.s32 $0x20, s9  }
0x7f: {  	[hbm4b:s24+s21] =	stream.strided.scatter [tilespmem:s16], [sflag:$0x2], $0x200, s30, s21, $0x38;
	[tilespmem:$0x18F00] =	vst v63  }
0x80: {  	s4 =	simm.s32 $0x8E00;
	s6 =	sadd.s32 $0x30, s9  }
0x81: {  	[hbm4b:s6+s21] =	stream.strided.scatter [tilespmem:s4], [sflag:$0x2], $0x200, s30, s21, $0x38;
	[tilespmem:$0x18F00] =	vst v63  }
0x82: {  	s16 =	simm.s32 $0x9000;
	s24 =	sadd.s32 $0x40, s9  }
0x83: {  	[hbm4b:s24+s21] =	stream.strided.scatter [tilespmem:s16], [sflag:$0x2], $0x200, s30, s21, $0x38;
	[tilespmem:$0x18F00] =	vst v63  }
0x84: {  	s0 =	simm.s32 $0x1000;
	s4 =	simm.s32 $0x9200;
	s6 =	sadd.s32 $0x50, s9  }
0x85: {  	[hbm4b:s6+s21] =	stream.strided.scatter [tilespmem:s4], [sflag:$0x2], $0x200, s30, s21, $0x38;
	[tilespmem:$0x18F00] =	vst v63  }
0x86: {  	s31 =	sadd.s32 $0x200, s9;
	s16 =	simm.s32 $0x9400;
	s24 =	sadd.s32 $0x60, s9  }
0x87: {  	[hbm4b:s24+s21] =	stream.strided.scatter [tilespmem:s16], [sflag:$0x2], $0x200, s30, s21, $0x38;
	[tilespmem:$0x18F00] =	vst v63  }
0x88: {  	s4 =	simm.s32 $0x8000;
	s6 =	simm.s32 $0x9600;
	s24 =	sadd.s32 $0x70, s9  }
.LBB2_4:
0x89: {  	[hbm4b:s24+s21] =	stream.strided.scatter [tilespmem:s6], [sflag:$0x2], $0x200, s30, s21, $0x38;
	[tilespmem:$0x18F00] =	vst v63  }
0x8a: {  	s6 =	smov.u32 s0;
	s0 =	smov.u32 s4  }
0x8b: {  	s16 =	sadd.s32 $0x4000, s4;
	s0 =	sshra.s32 s0, $0x2;
	s24 =	sadd.s32 $0x8800, s6  }
0x8c: {  	[hbm4b:s31+s21] =	stream.strided.scatter [tilespmem:s24], [sflag:$0x2], $0x200, s30, s21, $0x38;
	[tilespmem:$0x18F00] =	vst v63  }
0x8d: {  	p1 =	sne.s32 s4, $0x1C000;
	s4 =	sadd.s32 $0x8A00, s6;
	s24 =	sadd.s32 $0x10, s31  }
0x8e: {  	[hbm4b:s24+s21] =	stream.strided.scatter [tilespmem:s4], [sflag:$0x2], $0x200, s30, s21, $0x38;
	[tilespmem:$0x18F00] =	vst v63  }
0x8f: {  	s4 =	sadd.s32 $0x8C00, s6;
	s24 =	sadd.s32 $0x20, s31  }
0x90: {  	[hbm4b:s24+s21] =	stream.strided.scatter [tilespmem:s4], [sflag:$0x2], $0x200, s30, s21, $0x38;
	[tilespmem:$0x18F00] =	vst v63  }
0x91: {  	s4 =	sadd.s32 $0x8E00, s6;
	s24 =	sadd.s32 $0x30, s31  }
0x92: {  	[hbm4b:s24+s21] =	stream.strided.scatter [tilespmem:s4], [sflag:$0x2], $0x200, s30, s21, $0x38;
	[tilespmem:$0x18F00] =	vst v63  }
0x93: {  	s4 =	sadd.s32 $0x9000, s6;
	s24 =	sadd.s32 $0x40, s31  }
0x94: {  	[hbm4b:s24+s21] =	stream.strided.scatter [tilespmem:s4], [sflag:$0x2], $0x200, s30, s21, $0x38;
	[tilespmem:$0x18F00] =	vst v63  }
.Ltmp1:
0x95: {  	s4 =	sadd.s32 $0x9200, s6;
	s24 =	sadd.s32 $0x50, s31;
	(pc) =	sbr.rel @p1 .LBB2_4-.Ltmp1, $4  }
0x96: {  	[hbm4b:s24+s21] =	stream.strided.scatter [tilespmem:s4], [sflag:$0x2], $0x200, s30, s21, $0x38;
	[tilespmem:$0x18F00] =	vst v63  }
0x97: {  	s4 =	sadd.s32 $0x9400, s6;
	s24 =	sadd.s32 $0x60, s31;
	s6 =	sadd.s32 $0x9600, s6  }
0x98: {  	[hbm4b:s24+s21] =	stream.strided.scatter [tilespmem:s4], [sflag:$0x2], $0x200, s30, s21, $0x38;
	[tilespmem:$0x18F00] =	vst v63  }
0x99: {  	s24 =	sadd.s32 $0x70, s31;
	s31 =	sadd.s32 $0x200, s31;
	s4 =	smov.u32 s16  }
0x9a: {  	[hbm4b:s24+s21] =	stream.strided.scatter [tilespmem:s6], [sflag:$0x2], $0x200, s30, s21, $0x38;
	[tilespmem:$0x18F00] =	vst v63  }
0x9b: {  	s4 =	sadd.s32 $0x8800, s0  }
0x9c: {  	[hbm4b:s31+s21] =	stream.strided.scatter [tilespmem:s4], [sflag:$0x2], $0x200, s30, s21, $0x38;
	[tilespmem:$0x18F00] =	vst v63  }
0x9d: {  	s16 =	sadd.s32 $0x8A00, s0;
	s24 =	sadd.s32 $0x10, s31  }
0x9e: {  	[hbm4b:s24+s21] =	stream.strided.scatter [tilespmem:s16], [sflag:$0x2], $0x200, s30, s21, $0x38;
	[tilespmem:$0x18F00] =	vst v63  }
0x9f: {  	s16 =	sadd.s32 $0x8C00, s0;
	s24 =	sadd.s32 $0x20, s31  }
0xa0: {  	[hbm4b:s24+s21] =	stream.strided.scatter [tilespmem:s16], [sflag:$0x2], $0x200, s30, s21, $0x38;
	[tilespmem:$0x18F00] =	vst v63  }
0xa1: {  	s16 =	sadd.s32 $0x8E00, s0;
	s24 =	sadd.s32 $0x30, s31  }
0xa2: {  	[hbm4b:s24+s21] =	stream.strided.scatter [tilespmem:s16], [sflag:$0x2], $0x200, s30, s21, $0x38;
	[tilespmem:$0x18F00] =	vst v63  }
0xa3: {  	s16 =	sadd.s32 $0x9000, s0;
	s24 =	sadd.s32 $0x40, s31  }
0xa4: {  	[hbm4b:s24+s21] =	stream.strided.scatter [tilespmem:s16], [sflag:$0x2], $0x200, s30, s21, $0x38;
	[tilespmem:$0x18F00] =	vst v63  }
0xa5: {  	s16 =	sadd.s32 $0x9200, s0;
	s24 =	sadd.s32 $0x50, s31  }
0xa6: {  	[hbm4b:s24+s21] =	stream.strided.scatter [tilespmem:s16], [sflag:$0x2], $0x200, s30, s21, $0x38;
	[tilespmem:$0x18F00] =	vst v63  }
0xa7: {  	s16 =	sadd.s32 $0x9400, s0;
	s24 =	sadd.s32 $0x60, s31  }
0xa8: {  	[hbm4b:s24+s21] =	stream.strided.scatter [tilespmem:s16], [sflag:$0x2], $0x200, s30, s21, $0x38;
	[tilespmem:$0x18F00] =	vst v63  }
0xa9: {  	s16 =	sadd.s32 $0x9600, s0;
	s24 =	sadd.s32 $0x70, s31  }
0xaa: {  	[hbm4b:s24+s21] =	stream.strided.scatter [tilespmem:s16], [sflag:$0x2], $0x200, s30, s21, $0x38;
	[tilespmem:$0x18F00] =	vst v63  }
0xab: {  	_ =	swait.ge [sflag:s3], $0x8000  }
0xac: {  	[sflag:s3] =	ssyncset.done $0x0  }
0xad: {  	s6 =	simm.s32 $0x300;
	[sflag:s3] =	ssyncadd.s32 $0xFFFF8000  }
0xae: {  	[tilespmem:s22], [sflag:$0x1] =	stream.indirect.gather [spmem:s5], $0x80, s6, s21, $0xb8;
	[tilespmem:$0x18F00] =	vst v63  }
0xaf: {  	s16 =	simm.s32 $0x380  }
0xb0: {  	[tilespmem:s23], [sflag:$0x1] =	stream.indirect.gather [spmem:s5], $0x80, s16, s21, $0xb8;
	[tilespmem:$0x18F00] =	vst v63  }
0xb1: {  	_ =	swait.ge [sflag:s29], $0x4000  }
0xb2: {  	[sflag:s29] =	ssyncset.done $0x0  }
0xb3: {  	[sflag:s29] =	ssyncadd.s32 $0xFFFFC000  }
0xb4: {  	_ =	swait.ge [sflag:s29], $0x4000  }
0xb5: {  	[sflag:s29] =	ssyncset.done $0x0  }
0xb6: {  	s24 =	simm.s32 $0x10800;
	[sflag:s29] =	ssyncadd.s32 $0xFFFFC000  }
0xb7: {  	[hbm4b:s10+s21] =	stream.strided.scatter [tilespmem:s24], [sflag:$0x2], $0x200, s30, s21, $0x38;
	[tilespmem:$0x18F00] =	vst v63  }
0xb8: {  	s4 =	simm.s32 $0x10A00;
	s6 =	sadd.s32 $0x10, s10  }
0xb9: {  	[hbm4b:s6+s21] =	stream.strided.scatter [tilespmem:s4], [sflag:$0x2], $0x200, s30, s21, $0x38;
	[tilespmem:$0x18F00] =	vst v63  }
0xba: {  	s16 =	simm.s32 $0x10C00;
	s24 =	sadd.s32 $0x20, s10  }
0xbb: {  	[hbm4b:s24+s21] =	stream.strided.scatter [tilespmem:s16], [sflag:$0x2], $0x200, s30, s21, $0x38;
	[tilespmem:$0x18F00] =	vst v63  }
0xbc: {  	s4 =	simm.s32 $0x10E00;
	s6 =	sadd.s32 $0x30, s10  }
0xbd: {  	[hbm4b:s6+s21] =	stream.strided.scatter [tilespmem:s4], [sflag:$0x2], $0x200, s30, s21, $0x38;
	[tilespmem:$0x18F00] =	vst v63  }
0xbe: {  	s16 =	simm.s32 $0x11000;
	s24 =	sadd.s32 $0x40, s10  }
0xbf: {  	[hbm4b:s24+s21] =	stream.strided.scatter [tilespmem:s16], [sflag:$0x2], $0x200, s30, s21, $0x38;
	[tilespmem:$0x18F00] =	vst v63  }
0xc0: {  	s0 =	simm.s32 $0x1000;
	s4 =	simm.s32 $0x11200;
	s6 =	sadd.s32 $0x50, s10  }
0xc1: {  	[hbm4b:s6+s21] =	stream.strided.scatter [tilespmem:s4], [sflag:$0x2], $0x200, s30, s21, $0x38;
	[tilespmem:$0x18F00] =	vst v63  }
0xc2: {  	s31 =	sadd.s32 $0x200, s10;
	s16 =	simm.s32 $0x11400;
	s24 =	sadd.s32 $0x60, s10  }
0xc3: {  	[hbm4b:s24+s21] =	stream.strided.scatter [tilespmem:s16], [sflag:$0x2], $0x200, s30, s21, $0x38;
	[tilespmem:$0x18F00] =	vst v63  }
0xc4: {  	s4 =	simm.s32 $0x8000;
	s6 =	simm.s32 $0x11600;
	s24 =	sadd.s32 $0x70, s10  }
.LBB2_6:
0xc5: {  	[hbm4b:s24+s21] =	stream.strided.scatter [tilespmem:s6], [sflag:$0x2], $0x200, s30, s21, $0x38;
	[tilespmem:$0x18F00] =	vst v63  }
0xc6: {  	s6 =	smov.u32 s0;
	s0 =	smov.u32 s4  }
0xc7: {  	s16 =	sadd.s32 $0x4000, s4;
	s0 =	sshra.s32 s0, $0x2;
	s24 =	sadd.s32 $0x10800, s6  }
0xc8: {  	[hbm4b:s31+s21] =	stream.strided.scatter [tilespmem:s24], [sflag:$0x2], $0x200, s30, s21, $0x38;
	[tilespmem:$0x18F00] =	vst v63  }
0xc9: {  	p1 =	sne.s32 s4, $0x1C000;
	s4 =	sadd.s32 $0x10A00, s6;
	s24 =	sadd.s32 $0x10, s31  }
0xca: {  	[hbm4b:s24+s21] =	stream.strided.scatter [tilespmem:s4], [sflag:$0x2], $0x200, s30, s21, $0x38;
	[tilespmem:$0x18F00] =	vst v63  }
0xcb: {  	s4 =	sadd.s32 $0x10C00, s6;
	s24 =	sadd.s32 $0x20, s31  }
0xcc: {  	[hbm4b:s24+s21] =	stream.strided.scatter [tilespmem:s4], [sflag:$0x2], $0x200, s30, s21, $0x38;
	[tilespmem:$0x18F00] =	vst v63  }
0xcd: {  	s4 =	sadd.s32 $0x10E00, s6;
	s24 =	sadd.s32 $0x30, s31  }
0xce: {  	[hbm4b:s24+s21] =	stream.strided.scatter [tilespmem:s4], [sflag:$0x2], $0x200, s30, s21, $0x38;
	[tilespmem:$0x18F00] =	vst v63  }
0xcf: {  	s4 =	sadd.s32 $0x11000, s6;
	s24 =	sadd.s32 $0x40, s31  }
0xd0: {  	[hbm4b:s24+s21] =	stream.strided.scatter [tilespmem:s4], [sflag:$0x2], $0x200, s30, s21, $0x38;
	[tilespmem:$0x18F00] =	vst v63  }
.Ltmp2:
0xd1: {  	s4 =	sadd.s32 $0x11200, s6;
	s24 =	sadd.s32 $0x50, s31;
	(pc) =	sbr.rel @p1 .LBB2_6-.Ltmp2, $4  }
0xd2: {  	[hbm4b:s24+s21] =	stream.strided.scatter [tilespmem:s4], [sflag:$0x2], $0x200, s30, s21, $0x38;
	[tilespmem:$0x18F00] =	vst v63  }
0xd3: {  	s4 =	sadd.s32 $0x11400, s6;
	s24 =	sadd.s32 $0x60, s31;
	s6 =	sadd.s32 $0x11600, s6  }
0xd4: {  	[hbm4b:s24+s21] =	stream.strided.scatter [tilespmem:s4], [sflag:$0x2], $0x200, s30, s21, $0x38;
	[tilespmem:$0x18F00] =	vst v63  }
0xd5: {  	s24 =	sadd.s32 $0x70, s31;
	s31 =	sadd.s32 $0x200, s31;
	s4 =	smov.u32 s16  }
0xd6: {  	[hbm4b:s24+s21] =	stream.strided.scatter [tilespmem:s6], [sflag:$0x2], $0x200, s30, s21, $0x38;
	[tilespmem:$0x18F00] =	vst v63  }
0xd7: {  	s4 =	sadd.s32 $0x10800, s0  }
0xd8: {  	[hbm4b:s31+s21] =	stream.strided.scatter [tilespmem:s4], [sflag:$0x2], $0x200, s30, s21, $0x38;
	[tilespmem:$0x18F00] =	vst v63  }
0xd9: {  	s16 =	sadd.s32 $0x10A00, s0;
	s24 =	sadd.s32 $0x10, s31  }
0xda: {  	[hbm4b:s24+s21] =	stream.strided.scatter [tilespmem:s16], [sflag:$0x2], $0x200, s30, s21, $0x38;
	[tilespmem:$0x18F00] =	vst v63  }
0xdb: {  	s16 =	sadd.s32 $0x10C00, s0;
	s24 =	sadd.s32 $0x20, s31  }
0xdc: {  	[hbm4b:s24+s21] =	stream.strided.scatter [tilespmem:s16], [sflag:$0x2], $0x200, s30, s21, $0x38;
	[tilespmem:$0x18F00] =	vst v63  }
0xdd: {  	s16 =	sadd.s32 $0x10E00, s0;
	s24 =	sadd.s32 $0x30, s31  }
0xde: {  	[hbm4b:s24+s21] =	stream.strided.scatter [tilespmem:s16], [sflag:$0x2], $0x200, s30, s21, $0x38;
	[tilespmem:$0x18F00] =	vst v63  }
0xdf: {  	s16 =	sadd.s32 $0x11000, s0;
	s24 =	sadd.s32 $0x40, s31  }
0xe0: {  	[hbm4b:s24+s21] =	stream.strided.scatter [tilespmem:s16], [sflag:$0x2], $0x200, s30, s21, $0x38;
	[tilespmem:$0x18F00] =	vst v63  }
0xe1: {  	s16 =	sadd.s32 $0x11200, s0;
	s24 =	sadd.s32 $0x50, s31  }
0xe2: {  	[hbm4b:s24+s21] =	stream.strided.scatter [tilespmem:s16], [sflag:$0x2], $0x200, s30, s21, $0x38;
	[tilespmem:$0x18F00] =	vst v63  }
0xe3: {  	s16 =	sadd.s32 $0x11400, s0;
	s24 =	sadd.s32 $0x60, s31  }
0xe4: {  	[hbm4b:s24+s21] =	stream.strided.scatter [tilespmem:s16], [sflag:$0x2], $0x200, s30, s21, $0x38;
	[tilespmem:$0x18F00] =	vst v63  }
0xe5: {  	s6 =	sadd.s32 $0x70, s31;
	s4 =	sadd.s32 $0x11600, s0  }
0xe6: {  	[hbm4b:s6+s21] =	stream.strided.scatter [tilespmem:s4], [sflag:$0x2], $0x200, s30, s21, $0x38;
	[tilespmem:$0x18F00] =	vst v63  }
0xe7: {  	_ =	swait.ge [sflag:s3], $0x8000  }
0xe8: {  	[sflag:s3] =	ssyncset.done $0x0  }
0xe9: {  	[sflag:s3] =	ssyncadd.s32 $0xFFFF8000  }
0xea: {  	[tilespmem:s25], [sflag:$0x1] =	stream.indirect.gather [spmem:s5], $0x80, s30, s21, $0xb8;
	[tilespmem:$0x18F00] =	vst v63  }
0xeb: {  	s16 =	simm.s32 $0x480  }
0xec: {  	[tilespmem:s28], [sflag:$0x1] =	stream.indirect.gather [spmem:s5], $0x80, s16, s21, $0xb8;
	[tilespmem:$0x18F00] =	vst v63  }
0xed: {  	_ =	swait.ge [sflag:s29], $0x4000  }
0xee: {  	[sflag:s29] =	ssyncset.done $0x0  }
0xef: {  	[sflag:s29] =	ssyncadd.s32 $0xFFFFC000  }
0xf0: {  	_ =	swait.ge [sflag:s29], $0x4000  }
0xf1: {  	[sflag:s29] =	ssyncset.done $0x0  }
0xf2: {  	s24 =	simm.s32 $0x800;
	[sflag:s29] =	ssyncadd.s32 $0xFFFFC000  }
0xf3: {  	[hbm4b:s11+s21] =	stream.strided.scatter [tilespmem:s24], [sflag:$0x2], $0x200, s30, s21, $0x38;
	[tilespmem:$0x18F00] =	vst v63  }
0xf4: {  	s4 =	simm.s32 $0xA00;
	s6 =	sadd.s32 $0x10, s11  }
0xf5: {  	[hbm4b:s6+s21] =	stream.strided.scatter [tilespmem:s4], [sflag:$0x2], $0x200, s30, s21, $0x38;
	[tilespmem:$0x18F00] =	vst v63  }
0xf6: {  	s16 =	simm.s32 $0xC00;
	s24 =	sadd.s32 $0x20, s11  }
0xf7: {  	[hbm4b:s24+s21] =	stream.strided.scatter [tilespmem:s16], [sflag:$0x2], $0x200, s30, s21, $0x38;
	[tilespmem:$0x18F00] =	vst v63  }
0xf8: {  	s4 =	simm.s32 $0xE00;
	s6 =	sadd.s32 $0x30, s11  }
0xf9: {  	[hbm4b:s6+s21] =	stream.strided.scatter [tilespmem:s4], [sflag:$0x2], $0x200, s30, s21, $0x38;
	[tilespmem:$0x18F00] =	vst v63  }
0xfa: {  	s16 =	simm.s32 $0x1000;
	s24 =	sadd.s32 $0x40, s11  }
0xfb: {  	[hbm4b:s24+s21] =	stream.strided.scatter [tilespmem:s16], [sflag:$0x2], $0x200, s30, s21, $0x38;
	[tilespmem:$0x18F00] =	vst v63  }
0xfc: {  	s0 =	simm.s32 $0x1000;
	s4 =	simm.s32 $0x1200;
	s6 =	sadd.s32 $0x50, s11  }
0xfd: {  	[hbm4b:s6+s21] =	stream.strided.scatter [tilespmem:s4], [sflag:$0x2], $0x200, s30, s21, $0x38;
	[tilespmem:$0x18F00] =	vst v63  }
0xfe: {  	s31 =	sadd.s32 $0x200, s11;
	s16 =	simm.s32 $0x1400;
	s24 =	sadd.s32 $0x60, s11  }
0xff: {  	[hbm4b:s24+s21] =	stream.strided.scatter [tilespmem:s16], [sflag:$0x2], $0x200, s30, s21, $0x38;
	[tilespmem:$0x18F00] =	vst v63  }
0x100: {  	s4 =	simm.s32 $0x8000;
	s6 =	simm.s32 $0x1600;
	s24 =	sadd.s32 $0x70, s11  }
.LBB2_8:
0x101: {  	[hbm4b:s24+s21] =	stream.strided.scatter [tilespmem:s6], [sflag:$0x2], $0x200, s30, s21, $0x38;
	[tilespmem:$0x18F00] =	vst v63  }
0x102: {  	s6 =	smov.u32 s0;
	s0 =	smov.u32 s4  }
0x103: {  	s16 =	sadd.s32 $0x4000, s4;
	s0 =	sshra.s32 s0, $0x2;
	s24 =	sadd.s32 $0x800, s6  }
0x104: {  	[hbm4b:s31+s21] =	stream.strided.scatter [tilespmem:s24], [sflag:$0x2], $0x200, s30, s21, $0x38;
	[tilespmem:$0x18F00] =	vst v63  }
0x105: {  	p1 =	sne.s32 s4, $0x1C000;
	s4 =	sadd.s32 $0xA00, s6;
	s24 =	sadd.s32 $0x10, s31  }
0x106: {  	[hbm4b:s24+s21] =	stream.strided.scatter [tilespmem:s4], [sflag:$0x2], $0x200, s30, s21, $0x38;
	[tilespmem:$0x18F00] =	vst v63  }
0x107: {  	s4 =	sadd.s32 $0xC00, s6;
	s24 =	sadd.s32 $0x20, s31  }
0x108: {  	[hbm4b:s24+s21] =	stream.strided.scatter [tilespmem:s4], [sflag:$0x2], $0x200, s30, s21, $0x38;
	[tilespmem:$0x18F00] =	vst v63  }
0x109: {  	s4 =	sadd.s32 $0xE00, s6;
	s24 =	sadd.s32 $0x30, s31  }
0x10a: {  	[hbm4b:s24+s21] =	stream.strided.scatter [tilespmem:s4], [sflag:$0x2], $0x200, s30, s21, $0x38;
	[tilespmem:$0x18F00] =	vst v63  }
0x10b: {  	s4 =	sadd.s32 $0x1000, s6;
	s24 =	sadd.s32 $0x40, s31  }
0x10c: {  	[hbm4b:s24+s21] =	stream.strided.scatter [tilespmem:s4], [sflag:$0x2], $0x200, s30, s21, $0x38;
	[tilespmem:$0x18F00] =	vst v63  }
.Ltmp3:
0x10d: {  	s4 =	sadd.s32 $0x1200, s6;
	s24 =	sadd.s32 $0x50, s31;
	(pc) =	sbr.rel @p1 .LBB2_8-.Ltmp3, $4  }
0x10e: {  	[hbm4b:s24+s21] =	stream.strided.scatter [tilespmem:s4], [sflag:$0x2], $0x200, s30, s21, $0x38;
	[tilespmem:$0x18F00] =	vst v63  }
0x10f: {  	s4 =	sadd.s32 $0x1400, s6;
	s24 =	sadd.s32 $0x60, s31;
	s6 =	sadd.s32 $0x1600, s6  }
0x110: {  	[hbm4b:s24+s21] =	stream.strided.scatter [tilespmem:s4], [sflag:$0x2], $0x200, s30, s21, $0x38;
	[tilespmem:$0x18F00] =	vst v63  }
0x111: {  	s24 =	sadd.s32 $0x70, s31;
	s31 =	sadd.s32 $0x200, s31;
	s4 =	smov.u32 s16  }
0x112: {  	[hbm4b:s24+s21] =	stream.strided.scatter [tilespmem:s6], [sflag:$0x2], $0x200, s30, s21, $0x38;
	[tilespmem:$0x18F00] =	vst v63  }
0x113: {  	s4 =	sadd.s32 $0x800, s0  }
0x114: {  	[hbm4b:s31+s21] =	stream.strided.scatter [tilespmem:s4], [sflag:$0x2], $0x200, s30, s21, $0x38;
	[tilespmem:$0x18F00] =	vst v63  }
0x115: {  	s16 =	sadd.s32 $0xA00, s0;
	s24 =	sadd.s32 $0x10, s31  }
0x116: {  	[hbm4b:s24+s21] =	stream.strided.scatter [tilespmem:s16], [sflag:$0x2], $0x200, s30, s21, $0x38;
	[tilespmem:$0x18F00] =	vst v63  }
0x117: {  	s16 =	sadd.s32 $0xC00, s0;
	s24 =	sadd.s32 $0x20, s31  }
0x118: {  	[hbm4b:s24+s21] =	stream.strided.scatter [tilespmem:s16], [sflag:$0x2], $0x200, s30, s21, $0x38;
	[tilespmem:$0x18F00] =	vst v63  }
0x119: {  	s16 =	sadd.s32 $0xE00, s0;
	s24 =	sadd.s32 $0x30, s31  }
0x11a: {  	[hbm4b:s24+s21] =	stream.strided.scatter [tilespmem:s16], [sflag:$0x2], $0x200, s30, s21, $0x38;
	[tilespmem:$0x18F00] =	vst v63  }
0x11b: {  	s16 =	sadd.s32 $0x1000, s0;
	s24 =	sadd.s32 $0x40, s31  }
0x11c: {  	[hbm4b:s24+s21] =	stream.strided.scatter [tilespmem:s16], [sflag:$0x2], $0x200, s30, s21, $0x38;
	[tilespmem:$0x18F00] =	vst v63  }
0x11d: {  	s16 =	sadd.s32 $0x1200, s0;
	s24 =	sadd.s32 $0x50, s31  }
0x11e: {  	[hbm4b:s24+s21] =	stream.strided.scatter [tilespmem:s16], [sflag:$0x2], $0x200, s30, s21, $0x38;
	[tilespmem:$0x18F00] =	vst v63  }
0x11f: {  	s16 =	sadd.s32 $0x1400, s0;
	s24 =	sadd.s32 $0x60, s31  }
0x120: {  	[hbm4b:s24+s21] =	stream.strided.scatter [tilespmem:s16], [sflag:$0x2], $0x200, s30, s21, $0x38;
	[tilespmem:$0x18F00] =	vst v63  }
0x121: {  	s16 =	sadd.s32 $0x1600, s0;
	s24 =	sadd.s32 $0x70, s31  }
0x122: {  	[hbm4b:s24+s21] =	stream.strided.scatter [tilespmem:s16], [sflag:$0x2], $0x200, s30, s21, $0x38;
	[tilespmem:$0x18F00] =	vst v63  }
0x123: {  	_ =	swait.ge [sflag:s3], $0x8000  }
0x124: {  	[sflag:s3] =	ssyncset.done $0x0  }
0x125: {  	s6 =	simm.s32 $0x500;
	[sflag:s3] =	ssyncadd.s32 $0xFFFF8000  }
0x126: {  	[tilespmem:s1], [sflag:$0x1] =	stream.indirect.gather [spmem:s5], $0x80, s6, s21, $0xb8;
	[tilespmem:$0x18F00] =	vst v63  }
0x127: {  	s16 =	simm.s32 $0x580  }
0x128: {  	[tilespmem:s2], [sflag:$0x1] =	stream.indirect.gather [spmem:s5], $0x80, s16, s21, $0xb8;
	[tilespmem:$0x18F00] =	vst v63  }
0x129: {  	_ =	swait.ge [sflag:s29], $0x4000  }
0x12a: {  	[sflag:s29] =	ssyncset.done $0x0  }
0x12b: {  	[sflag:s29] =	ssyncadd.s32 $0xFFFFC000  }
0x12c: {  	_ =	swait.ge [sflag:s29], $0x4000  }
0x12d: {  	[sflag:s29] =	ssyncset.done $0x0  }
0x12e: {  	s24 =	simm.s32 $0x8800;
	[sflag:s29] =	ssyncadd.s32 $0xFFFFC000  }
0x12f: {  	[hbm4b:s12+s21] =	stream.strided.scatter [tilespmem:s24], [sflag:$0x2], $0x200, s30, s21, $0x38;
	[tilespmem:$0x18F00] =	vst v63  }
0x130: {  	s4 =	simm.s32 $0x8A00;
	s6 =	sadd.s32 $0x10, s12  }
0x131: {  	[hbm4b:s6+s21] =	stream.strided.scatter [tilespmem:s4], [sflag:$0x2], $0x200, s30, s21, $0x38;
	[tilespmem:$0x18F00] =	vst v63  }
0x132: {  	s16 =	simm.s32 $0x8C00;
	s24 =	sadd.s32 $0x20, s12  }
0x133: {  	[hbm4b:s24+s21] =	stream.strided.scatter [tilespmem:s16], [sflag:$0x2], $0x200, s30, s21, $0x38;
	[tilespmem:$0x18F00] =	vst v63  }
0x134: {  	s4 =	simm.s32 $0x8E00;
	s6 =	sadd.s32 $0x30, s12  }
0x135: {  	[hbm4b:s6+s21] =	stream.strided.scatter [tilespmem:s4], [sflag:$0x2], $0x200, s30, s21, $0x38;
	[tilespmem:$0x18F00] =	vst v63  }
0x136: {  	s16 =	simm.s32 $0x9000;
	s24 =	sadd.s32 $0x40, s12  }
0x137: {  	[hbm4b:s24+s21] =	stream.strided.scatter [tilespmem:s16], [sflag:$0x2], $0x200, s30, s21, $0x38;
	[tilespmem:$0x18F00] =	vst v63  }
0x138: {  	s0 =	simm.s32 $0x1000;
	s4 =	simm.s32 $0x9200;
	s6 =	sadd.s32 $0x50, s12  }
0x139: {  	[hbm4b:s6+s21] =	stream.strided.scatter [tilespmem:s4], [sflag:$0x2], $0x200, s30, s21, $0x38;
	[tilespmem:$0x18F00] =	vst v63  }
0x13a: {  	s31 =	sadd.s32 $0x200, s12;
	s16 =	simm.s32 $0x9400;
	s24 =	sadd.s32 $0x60, s12  }
0x13b: {  	[hbm4b:s24+s21] =	stream.strided.scatter [tilespmem:s16], [sflag:$0x2], $0x200, s30, s21, $0x38;
	[tilespmem:$0x18F00] =	vst v63  }
0x13c: {  	s4 =	simm.s32 $0x8000;
	s6 =	simm.s32 $0x9600;
	s24 =	sadd.s32 $0x70, s12  }
.LBB2_10:
0x13d: {  	[hbm4b:s24+s21] =	stream.strided.scatter [tilespmem:s6], [sflag:$0x2], $0x200, s30, s21, $0x38;
	[tilespmem:$0x18F00] =	vst v63  }
0x13e: {  	s6 =	smov.u32 s0;
	s0 =	smov.u32 s4  }
0x13f: {  	s16 =	sadd.s32 $0x4000, s4;
	s0 =	sshra.s32 s0, $0x2;
	s24 =	sadd.s32 $0x8800, s6  }
0x140: {  	[hbm4b:s31+s21] =	stream.strided.scatter [tilespmem:s24], [sflag:$0x2], $0x200, s30, s21, $0x38;
	[tilespmem:$0x18F00] =	vst v63  }
0x141: {  	p1 =	sne.s32 s4, $0x1C000;
	s4 =	sadd.s32 $0x8A00, s6;
	s24 =	sadd.s32 $0x10, s31  }
0x142: {  	[hbm4b:s24+s21] =	stream.strided.scatter [tilespmem:s4], [sflag:$0x2], $0x200, s30, s21, $0x38;
	[tilespmem:$0x18F00] =	vst v63  }
0x143: {  	s4 =	sadd.s32 $0x8C00, s6;
	s24 =	sadd.s32 $0x20, s31  }
0x144: {  	[hbm4b:s24+s21] =	stream.strided.scatter [tilespmem:s4], [sflag:$0x2], $0x200, s30, s21, $0x38;
	[tilespmem:$0x18F00] =	vst v63  }
0x145: {  	s4 =	sadd.s32 $0x8E00, s6;
	s24 =	sadd.s32 $0x30, s31  }
0x146: {  	[hbm4b:s24+s21] =	stream.strided.scatter [tilespmem:s4], [sflag:$0x2], $0x200, s30, s21, $0x38;
	[tilespmem:$0x18F00] =	vst v63  }
0x147: {  	s4 =	sadd.s32 $0x9000, s6;
	s24 =	sadd.s32 $0x40, s31  }
0x148: {  	[hbm4b:s24+s21] =	stream.strided.scatter [tilespmem:s4], [sflag:$0x2], $0x200, s30, s21, $0x38;
	[tilespmem:$0x18F00] =	vst v63  }
.Ltmp4:
0x149: {  	s4 =	sadd.s32 $0x9200, s6;
	s24 =	sadd.s32 $0x50, s31;
	(pc) =	sbr.rel @p1 .LBB2_10-.Ltmp4, $4  }
0x14a: {  	[hbm4b:s24+s21] =	stream.strided.scatter [tilespmem:s4], [sflag:$0x2], $0x200, s30, s21, $0x38;
	[tilespmem:$0x18F00] =	vst v63  }
0x14b: {  	s4 =	sadd.s32 $0x9400, s6;
	s24 =	sadd.s32 $0x60, s31;
	s6 =	sadd.s32 $0x9600, s6  }
0x14c: {  	[hbm4b:s24+s21] =	stream.strided.scatter [tilespmem:s4], [sflag:$0x2], $0x200, s30, s21, $0x38;
	[tilespmem:$0x18F00] =	vst v63  }
0x14d: {  	s24 =	sadd.s32 $0x70, s31;
	s31 =	sadd.s32 $0x200, s31;
	s4 =	smov.u32 s16  }
0x14e: {  	[hbm4b:s24+s21] =	stream.strided.scatter [tilespmem:s6], [sflag:$0x2], $0x200, s30, s21, $0x38;
	[tilespmem:$0x18F00] =	vst v63  }
0x14f: {  	s4 =	sadd.s32 $0x8800, s0  }
0x150: {  	[hbm4b:s31+s21] =	stream.strided.scatter [tilespmem:s4], [sflag:$0x2], $0x200, s30, s21, $0x38;
	[tilespmem:$0x18F00] =	vst v63  }
0x151: {  	s16 =	sadd.s32 $0x8A00, s0;
	s24 =	sadd.s32 $0x10, s31  }
0x152: {  	[hbm4b:s24+s21] =	stream.strided.scatter [tilespmem:s16], [sflag:$0x2], $0x200, s30, s21, $0x38;
	[tilespmem:$0x18F00] =	vst v63  }
0x153: {  	s16 =	sadd.s32 $0x8C00, s0;
	s24 =	sadd.s32 $0x20, s31  }
0x154: {  	[hbm4b:s24+s21] =	stream.strided.scatter [tilespmem:s16], [sflag:$0x2], $0x200, s30, s21, $0x38;
	[tilespmem:$0x18F00] =	vst v63  }
0x155: {  	s16 =	sadd.s32 $0x8E00, s0;
	s24 =	sadd.s32 $0x30, s31  }
0x156: {  	[hbm4b:s24+s21] =	stream.strided.scatter [tilespmem:s16], [sflag:$0x2], $0x200, s30, s21, $0x38;
	[tilespmem:$0x18F00] =	vst v63  }
0x157: {  	s16 =	sadd.s32 $0x9000, s0;
	s24 =	sadd.s32 $0x40, s31  }
0x158: {  	[hbm4b:s24+s21] =	stream.strided.scatter [tilespmem:s16], [sflag:$0x2], $0x200, s30, s21, $0x38;
	[tilespmem:$0x18F00] =	vst v63  }
0x159: {  	s16 =	sadd.s32 $0x9200, s0;
	s24 =	sadd.s32 $0x50, s31  }
0x15a: {  	[hbm4b:s24+s21] =	stream.strided.scatter [tilespmem:s16], [sflag:$0x2], $0x200, s30, s21, $0x38;
	[tilespmem:$0x18F00] =	vst v63  }
0x15b: {  	s16 =	sadd.s32 $0x9400, s0;
	s24 =	sadd.s32 $0x60, s31  }
0x15c: {  	[hbm4b:s24+s21] =	stream.strided.scatter [tilespmem:s16], [sflag:$0x2], $0x200, s30, s21, $0x38;
	[tilespmem:$0x18F00] =	vst v63  }
0x15d: {  	s16 =	sadd.s32 $0x9600, s0;
	s24 =	sadd.s32 $0x70, s31  }
0x15e: {  	[hbm4b:s24+s21] =	stream.strided.scatter [tilespmem:s16], [sflag:$0x2], $0x200, s30, s21, $0x38;
	[tilespmem:$0x18F00] =	vst v63  }
0x15f: {  	_ =	swait.ge [sflag:s3], $0x8000  }
0x160: {  	[sflag:s3] =	ssyncset.done $0x0  }
0x161: {  	s6 =	simm.s32 $0x600;
	[sflag:s3] =	ssyncadd.s32 $0xFFFF8000  }
0x162: {  	[tilespmem:s22], [sflag:$0x1] =	stream.indirect.gather [spmem:s5], $0x80, s6, s21, $0xb8;
	[tilespmem:$0x18F00] =	vst v63  }
0x163: {  	s16 =	simm.s32 $0x680  }
0x164: {  	[tilespmem:s23], [sflag:$0x1] =	stream.indirect.gather [spmem:s5], $0x80, s16, s21, $0xb8;
	[tilespmem:$0x18F00] =	vst v63  }
0x165: {  	_ =	swait.ge [sflag:s29], $0x4000  }
0x166: {  	[sflag:s29] =	ssyncset.done $0x0  }
0x167: {  	[sflag:s29] =	ssyncadd.s32 $0xFFFFC000  }
0x168: {  	_ =	swait.ge [sflag:s29], $0x4000  }
0x169: {  	[sflag:s29] =	ssyncset.done $0x0  }
0x16a: {  	s24 =	simm.s32 $0x10800;
	[sflag:s29] =	ssyncadd.s32 $0xFFFFC000  }
0x16b: {  	[hbm4b:s13+s21] =	stream.strided.scatter [tilespmem:s24], [sflag:$0x2], $0x200, s30, s21, $0x38;
	[tilespmem:$0x18F00] =	vst v63  }
0x16c: {  	s4 =	simm.s32 $0x10A00;
	s6 =	sadd.s32 $0x10, s13  }
0x16d: {  	[hbm4b:s6+s21] =	stream.strided.scatter [tilespmem:s4], [sflag:$0x2], $0x200, s30, s21, $0x38;
	[tilespmem:$0x18F00] =	vst v63  }
0x16e: {  	s16 =	simm.s32 $0x10C00;
	s24 =	sadd.s32 $0x20, s13  }
0x16f: {  	[hbm4b:s24+s21] =	stream.strided.scatter [tilespmem:s16], [sflag:$0x2], $0x200, s30, s21, $0x38;
	[tilespmem:$0x18F00] =	vst v63  }
0x170: {  	s4 =	simm.s32 $0x10E00;
	s6 =	sadd.s32 $0x30, s13  }
0x171: {  	[hbm4b:s6+s21] =	stream.strided.scatter [tilespmem:s4], [sflag:$0x2], $0x200, s30, s21, $0x38;
	[tilespmem:$0x18F00] =	vst v63  }
0x172: {  	s16 =	simm.s32 $0x11000;
	s24 =	sadd.s32 $0x40, s13  }
0x173: {  	[hbm4b:s24+s21] =	stream.strided.scatter [tilespmem:s16], [sflag:$0x2], $0x200, s30, s21, $0x38;
	[tilespmem:$0x18F00] =	vst v63  }
0x174: {  	s0 =	simm.s32 $0x1000;
	s4 =	simm.s32 $0x11200;
	s6 =	sadd.s32 $0x50, s13  }
0x175: {  	[hbm4b:s6+s21] =	stream.strided.scatter [tilespmem:s4], [sflag:$0x2], $0x200, s30, s21, $0x38;
	[tilespmem:$0x18F00] =	vst v63  }
0x176: {  	s31 =	sadd.s32 $0x200, s13;
	s16 =	simm.s32 $0x11400;
	s24 =	sadd.s32 $0x60, s13  }
0x177: {  	[hbm4b:s24+s21] =	stream.strided.scatter [tilespmem:s16], [sflag:$0x2], $0x200, s30, s21, $0x38;
	[tilespmem:$0x18F00] =	vst v63  }
0x178: {  	s4 =	simm.s32 $0x8000;
	s6 =	simm.s32 $0x11600;
	s24 =	sadd.s32 $0x70, s13  }
.LBB2_12:
0x179: {  	[hbm4b:s24+s21] =	stream.strided.scatter [tilespmem:s6], [sflag:$0x2], $0x200, s30, s21, $0x38;
	[tilespmem:$0x18F00] =	vst v63  }
0x17a: {  	s6 =	smov.u32 s0;
	s0 =	smov.u32 s4  }
0x17b: {  	s16 =	sadd.s32 $0x4000, s4;
	s0 =	sshra.s32 s0, $0x2;
	s24 =	sadd.s32 $0x10800, s6  }
0x17c: {  	[hbm4b:s31+s21] =	stream.strided.scatter [tilespmem:s24], [sflag:$0x2], $0x200, s30, s21, $0x38;
	[tilespmem:$0x18F00] =	vst v63  }
0x17d: {  	p1 =	sne.s32 s4, $0x1C000;
	s4 =	sadd.s32 $0x10A00, s6;
	s24 =	sadd.s32 $0x10, s31  }
0x17e: {  	[hbm4b:s24+s21] =	stream.strided.scatter [tilespmem:s4], [sflag:$0x2], $0x200, s30, s21, $0x38;
	[tilespmem:$0x18F00] =	vst v63  }
0x17f: {  	s4 =	sadd.s32 $0x10C00, s6;
	s24 =	sadd.s32 $0x20, s31  }
0x180: {  	[hbm4b:s24+s21] =	stream.strided.scatter [tilespmem:s4], [sflag:$0x2], $0x200, s30, s21, $0x38;
	[tilespmem:$0x18F00] =	vst v63  }
0x181: {  	s4 =	sadd.s32 $0x10E00, s6;
	s24 =	sadd.s32 $0x30, s31  }
0x182: {  	[hbm4b:s24+s21] =	stream.strided.scatter [tilespmem:s4], [sflag:$0x2], $0x200, s30, s21, $0x38;
	[tilespmem:$0x18F00] =	vst v63  }
0x183: {  	s4 =	sadd.s32 $0x11000, s6;
	s24 =	sadd.s32 $0x40, s31  }
0x184: {  	[hbm4b:s24+s21] =	stream.strided.scatter [tilespmem:s4], [sflag:$0x2], $0x200, s30, s21, $0x38;
	[tilespmem:$0x18F00] =	vst v63  }
.Ltmp5:
0x185: {  	s4 =	sadd.s32 $0x11200, s6;
	s24 =	sadd.s32 $0x50, s31;
	(pc) =	sbr.rel @p1 .LBB2_12-.Ltmp5, $4  }
0x186: {  	[hbm4b:s24+s21] =	stream.strided.scatter [tilespmem:s4], [sflag:$0x2], $0x200, s30, s21, $0x38;
	[tilespmem:$0x18F00] =	vst v63  }
0x187: {  	s4 =	sadd.s32 $0x11400, s6;
	s24 =	sadd.s32 $0x60, s31;
	s6 =	sadd.s32 $0x11600, s6  }
0x188: {  	[hbm4b:s24+s21] =	stream.strided.scatter [tilespmem:s4], [sflag:$0x2], $0x200, s30, s21, $0x38;
	[tilespmem:$0x18F00] =	vst v63  }
0x189: {  	s24 =	sadd.s32 $0x70, s31;
	s31 =	sadd.s32 $0x200, s31;
	s4 =	smov.u32 s16  }
0x18a: {  	[hbm4b:s24+s21] =	stream.strided.scatter [tilespmem:s6], [sflag:$0x2], $0x200, s30, s21, $0x38;
	[tilespmem:$0x18F00] =	vst v63  }
0x18b: {  	s4 =	sadd.s32 $0x10800, s0  }
0x18c: {  	[hbm4b:s31+s21] =	stream.strided.scatter [tilespmem:s4], [sflag:$0x2], $0x200, s30, s21, $0x38;
	[tilespmem:$0x18F00] =	vst v63  }
0x18d: {  	s16 =	sadd.s32 $0x10A00, s0;
	s24 =	sadd.s32 $0x10, s31  }
0x18e: {  	[hbm4b:s24+s21] =	stream.strided.scatter [tilespmem:s16], [sflag:$0x2], $0x200, s30, s21, $0x38;
	[tilespmem:$0x18F00] =	vst v63  }
0x18f: {  	s16 =	sadd.s32 $0x10C00, s0;
	s24 =	sadd.s32 $0x20, s31  }
0x190: {  	[hbm4b:s24+s21] =	stream.strided.scatter [tilespmem:s16], [sflag:$0x2], $0x200, s30, s21, $0x38;
	[tilespmem:$0x18F00] =	vst v63  }
0x191: {  	s16 =	sadd.s32 $0x10E00, s0;
	s24 =	sadd.s32 $0x30, s31  }
0x192: {  	[hbm4b:s24+s21] =	stream.strided.scatter [tilespmem:s16], [sflag:$0x2], $0x200, s30, s21, $0x38;
	[tilespmem:$0x18F00] =	vst v63  }
0x193: {  	s16 =	sadd.s32 $0x11000, s0;
	s24 =	sadd.s32 $0x40, s31  }
0x194: {  	[hbm4b:s24+s21] =	stream.strided.scatter [tilespmem:s16], [sflag:$0x2], $0x200, s30, s21, $0x38;
	[tilespmem:$0x18F00] =	vst v63  }
0x195: {  	s16 =	sadd.s32 $0x11200, s0;
	s24 =	sadd.s32 $0x50, s31  }
0x196: {  	[hbm4b:s24+s21] =	stream.strided.scatter [tilespmem:s16], [sflag:$0x2], $0x200, s30, s21, $0x38;
	[tilespmem:$0x18F00] =	vst v63  }
0x197: {  	s16 =	sadd.s32 $0x11400, s0;
	s24 =	sadd.s32 $0x60, s31  }
0x198: {  	[hbm4b:s24+s21] =	stream.strided.scatter [tilespmem:s16], [sflag:$0x2], $0x200, s30, s21, $0x38;
	[tilespmem:$0x18F00] =	vst v63  }
0x199: {  	s16 =	sadd.s32 $0x11600, s0;
	s24 =	sadd.s32 $0x70, s31  }
0x19a: {  	[hbm4b:s24+s21] =	stream.strided.scatter [tilespmem:s16], [sflag:$0x2], $0x200, s30, s21, $0x38;
	[tilespmem:$0x18F00] =	vst v63  }
0x19b: {  	_ =	swait.ge [sflag:s3], $0x8000  }
0x19c: {  	[sflag:s3] =	ssyncset.done $0x0  }
0x19d: {  	s6 =	simm.s32 $0x700;
	[sflag:s3] =	ssyncadd.s32 $0xFFFF8000  }
0x19e: {  	[tilespmem:s25], [sflag:$0x1] =	stream.indirect.gather [spmem:s5], $0x80, s6, s21, $0xb8;
	[tilespmem:$0x18F00] =	vst v63  }
0x19f: {  	s16 =	simm.s32 $0x780  }
0x1a0: {  	[tilespmem:s28], [sflag:$0x1] =	stream.indirect.gather [spmem:s5], $0x80, s16, s21, $0xb8;
	[tilespmem:$0x18F00] =	vst v63  }
0x1a1: {  	_ =	swait.ge [sflag:s29], $0x4000  }
0x1a2: {  	[sflag:s29] =	ssyncset.done $0x0  }
0x1a3: {  	[sflag:s29] =	ssyncadd.s32 $0xFFFFC000  }
0x1a4: {  	_ =	swait.ge [sflag:s29], $0x4000  }
0x1a5: {  	[sflag:s29] =	ssyncset.done $0x0  }
0x1a6: {  	s24 =	simm.s32 $0x800;
	[sflag:s29] =	ssyncadd.s32 $0xFFFFC000  }
0x1a7: {  	[hbm4b:s14+s21] =	stream.strided.scatter [tilespmem:s24], [sflag:$0x2], $0x200, s30, s21, $0x38;
	[tilespmem:$0x18F00] =	vst v63  }
0x1a8: {  	s4 =	simm.s32 $0xA00;
	s6 =	sadd.s32 $0x10, s14  }
0x1a9: {  	[hbm4b:s6+s21] =	stream.strided.scatter [tilespmem:s4], [sflag:$0x2], $0x200, s30, s21, $0x38;
	[tilespmem:$0x18F00] =	vst v63  }
0x1aa: {  	s16 =	simm.s32 $0xC00;
	s24 =	sadd.s32 $0x20, s14  }
0x1ab: {  	[hbm4b:s24+s21] =	stream.strided.scatter [tilespmem:s16], [sflag:$0x2], $0x200, s30, s21, $0x38;
	[tilespmem:$0x18F00] =	vst v63  }
0x1ac: {  	s4 =	simm.s32 $0xE00;
	s6 =	sadd.s32 $0x30, s14  }
0x1ad: {  	[hbm4b:s6+s21] =	stream.strided.scatter [tilespmem:s4], [sflag:$0x2], $0x200, s30, s21, $0x38;
	[tilespmem:$0x18F00] =	vst v63  }
0x1ae: {  	s16 =	simm.s32 $0x1000;
	s24 =	sadd.s32 $0x40, s14  }
0x1af: {  	[hbm4b:s24+s21] =	stream.strided.scatter [tilespmem:s16], [sflag:$0x2], $0x200, s30, s21, $0x38;
	[tilespmem:$0x18F00] =	vst v63  }
0x1b0: {  	s0 =	simm.s32 $0x1000;
	s4 =	simm.s32 $0x1200;
	s6 =	sadd.s32 $0x50, s14  }
0x1b1: {  	[hbm4b:s6+s21] =	stream.strided.scatter [tilespmem:s4], [sflag:$0x2], $0x200, s30, s21, $0x38;
	[tilespmem:$0x18F00] =	vst v63  }
0x1b2: {  	s31 =	sadd.s32 $0x200, s14;
	s16 =	simm.s32 $0x1400;
	s24 =	sadd.s32 $0x60, s14  }
0x1b3: {  	[hbm4b:s24+s21] =	stream.strided.scatter [tilespmem:s16], [sflag:$0x2], $0x200, s30, s21, $0x38;
	[tilespmem:$0x18F00] =	vst v63  }
0x1b4: {  	s4 =	simm.s32 $0x8000;
	s6 =	simm.s32 $0x1600;
	s24 =	sadd.s32 $0x70, s14  }
.LBB2_14:
0x1b5: {  	[hbm4b:s24+s21] =	stream.strided.scatter [tilespmem:s6], [sflag:$0x2], $0x200, s30, s21, $0x38;
	[tilespmem:$0x18F00] =	vst v63  }
0x1b6: {  	s6 =	smov.u32 s0;
	s0 =	smov.u32 s4  }
0x1b7: {  	s16 =	sadd.s32 $0x4000, s4;
	s0 =	sshra.s32 s0, $0x2;
	s24 =	sadd.s32 $0x800, s6  }
0x1b8: {  	[hbm4b:s31+s21] =	stream.strided.scatter [tilespmem:s24], [sflag:$0x2], $0x200, s30, s21, $0x38;
	[tilespmem:$0x18F00] =	vst v63  }
0x1b9: {  	p1 =	sne.s32 s4, $0x1C000;
	s4 =	sadd.s32 $0xA00, s6;
	s24 =	sadd.s32 $0x10, s31  }
0x1ba: {  	[hbm4b:s24+s21] =	stream.strided.scatter [tilespmem:s4], [sflag:$0x2], $0x200, s30, s21, $0x38;
	[tilespmem:$0x18F00] =	vst v63  }
0x1bb: {  	s4 =	sadd.s32 $0xC00, s6;
	s24 =	sadd.s32 $0x20, s31  }
0x1bc: {  	[hbm4b:s24+s21] =	stream.strided.scatter [tilespmem:s4], [sflag:$0x2], $0x200, s30, s21, $0x38;
	[tilespmem:$0x18F00] =	vst v63  }
0x1bd: {  	s4 =	sadd.s32 $0xE00, s6;
	s24 =	sadd.s32 $0x30, s31  }
0x1be: {  	[hbm4b:s24+s21] =	stream.strided.scatter [tilespmem:s4], [sflag:$0x2], $0x200, s30, s21, $0x38;
	[tilespmem:$0x18F00] =	vst v63  }
0x1bf: {  	s4 =	sadd.s32 $0x1000, s6;
	s24 =	sadd.s32 $0x40, s31  }
0x1c0: {  	[hbm4b:s24+s21] =	stream.strided.scatter [tilespmem:s4], [sflag:$0x2], $0x200, s30, s21, $0x38;
	[tilespmem:$0x18F00] =	vst v63  }
.Ltmp6:
0x1c1: {  	s4 =	sadd.s32 $0x1200, s6;
	s24 =	sadd.s32 $0x50, s31;
	(pc) =	sbr.rel @p1 .LBB2_14-.Ltmp6, $4  }
0x1c2: {  	[hbm4b:s24+s21] =	stream.strided.scatter [tilespmem:s4], [sflag:$0x2], $0x200, s30, s21, $0x38;
	[tilespmem:$0x18F00] =	vst v63  }
0x1c3: {  	s4 =	sadd.s32 $0x1400, s6;
	s24 =	sadd.s32 $0x60, s31;
	s6 =	sadd.s32 $0x1600, s6  }
0x1c4: {  	[hbm4b:s24+s21] =	stream.strided.scatter [tilespmem:s4], [sflag:$0x2], $0x200, s30, s21, $0x38;
	[tilespmem:$0x18F00] =	vst v63  }
0x1c5: {  	s24 =	sadd.s32 $0x70, s31;
	s31 =	sadd.s32 $0x200, s31;
	s4 =	smov.u32 s16  }
0x1c6: {  	[hbm4b:s24+s21] =	stream.strided.scatter [tilespmem:s6], [sflag:$0x2], $0x200, s30, s21, $0x38;
	[tilespmem:$0x18F00] =	vst v63  }
0x1c7: {  	s4 =	sadd.s32 $0x800, s0  }
0x1c8: {  	[hbm4b:s31+s21] =	stream.strided.scatter [tilespmem:s4], [sflag:$0x2], $0x200, s30, s21, $0x38;
	[tilespmem:$0x18F00] =	vst v63  }
0x1c9: {  	s16 =	sadd.s32 $0xA00, s0;
	s24 =	sadd.s32 $0x10, s31  }
0x1ca: {  	[hbm4b:s24+s21] =	stream.strided.scatter [tilespmem:s16], [sflag:$0x2], $0x200, s30, s21, $0x38;
	[tilespmem:$0x18F00] =	vst v63  }
0x1cb: {  	s16 =	sadd.s32 $0xC00, s0;
	s24 =	sadd.s32 $0x20, s31  }
0x1cc: {  	[hbm4b:s24+s21] =	stream.strided.scatter [tilespmem:s16], [sflag:$0x2], $0x200, s30, s21, $0x38;
	[tilespmem:$0x18F00] =	vst v63  }
0x1cd: {  	s16 =	sadd.s32 $0xE00, s0;
	s24 =	sadd.s32 $0x30, s31  }
0x1ce: {  	[hbm4b:s24+s21] =	stream.strided.scatter [tilespmem:s16], [sflag:$0x2], $0x200, s30, s21, $0x38;
	[tilespmem:$0x18F00] =	vst v63  }
0x1cf: {  	s16 =	sadd.s32 $0x1000, s0;
	s24 =	sadd.s32 $0x40, s31  }
0x1d0: {  	[hbm4b:s24+s21] =	stream.strided.scatter [tilespmem:s16], [sflag:$0x2], $0x200, s30, s21, $0x38;
	[tilespmem:$0x18F00] =	vst v63  }
0x1d1: {  	s16 =	sadd.s32 $0x1200, s0;
	s24 =	sadd.s32 $0x50, s31  }
0x1d2: {  	[hbm4b:s24+s21] =	stream.strided.scatter [tilespmem:s16], [sflag:$0x2], $0x200, s30, s21, $0x38;
	[tilespmem:$0x18F00] =	vst v63  }
0x1d3: {  	s16 =	sadd.s32 $0x1400, s0;
	s24 =	sadd.s32 $0x60, s31  }
0x1d4: {  	[hbm4b:s24+s21] =	stream.strided.scatter [tilespmem:s16], [sflag:$0x2], $0x200, s30, s21, $0x38;
	[tilespmem:$0x18F00] =	vst v63  }
0x1d5: {  	s6 =	sadd.s32 $0x1600, s0;
	s16 =	sadd.s32 $0x70, s31  }
0x1d6: {  	[hbm4b:s16+s21] =	stream.strided.scatter [tilespmem:s6], [sflag:$0x2], $0x200, s30, s21, $0x38;
	[tilespmem:$0x18F00] =	vst v63  }
0x1d7: {  	_ =	swait.ge [sflag:s29], $0x4000  }
0x1d8: {  	[sflag:s29] =	ssyncset.done $0x0  }
0x1d9: {  	[sflag:s29] =	ssyncadd.s32 $0xFFFFC000  }
0x1da: {  	_ =	swait.ge [sflag:s29], $0x4000  }
0x1db: {  	[sflag:s29] =	ssyncset.done $0x0  }
0x1dc: {  	s24 =	simm.s32 $0x8800;
	[sflag:s29] =	ssyncadd.s32 $0xFFFFC000  }
0x1dd: {  	[hbm4b:s15+s21] =	stream.strided.scatter [tilespmem:s24], [sflag:$0x2], $0x200, s30, s21, $0x38;
	[tilespmem:$0x18F00] =	vst v63  }
0x1de: {  	s4 =	simm.s32 $0x8A00;
	s6 =	sadd.s32 $0x10, s15  }
0x1df: {  	[hbm4b:s6+s21] =	stream.strided.scatter [tilespmem:s4], [sflag:$0x2], $0x200, s30, s21, $0x38;
	[tilespmem:$0x18F00] =	vst v63  }
0x1e0: {  	s16 =	simm.s32 $0x8C00;
	s24 =	sadd.s32 $0x20, s15  }
0x1e1: {  	[hbm4b:s24+s21] =	stream.strided.scatter [tilespmem:s16], [sflag:$0x2], $0x200, s30, s21, $0x38;
	[tilespmem:$0x18F00] =	vst v63  }
0x1e2: {  	s4 =	simm.s32 $0x8E00;
	s6 =	sadd.s32 $0x30, s15  }
0x1e3: {  	[hbm4b:s6+s21] =	stream.strided.scatter [tilespmem:s4], [sflag:$0x2], $0x200, s30, s21, $0x38;
	[tilespmem:$0x18F00] =	vst v63  }
0x1e4: {  	s16 =	simm.s32 $0x9000;
	s24 =	sadd.s32 $0x40, s15  }
0x1e5: {  	[hbm4b:s24+s21] =	stream.strided.scatter [tilespmem:s16], [sflag:$0x2], $0x200, s30, s21, $0x38;
	[tilespmem:$0x18F00] =	vst v63  }
0x1e6: {  	s0 =	simm.s32 $0x1000;
	s4 =	simm.s32 $0x9200;
	s6 =	sadd.s32 $0x50, s15  }
0x1e7: {  	[hbm4b:s6+s21] =	stream.strided.scatter [tilespmem:s4], [sflag:$0x2], $0x200, s30, s21, $0x38;
	[tilespmem:$0x18F00] =	vst v63  }
0x1e8: {  	s31 =	sadd.s32 $0x200, s15;
	s16 =	simm.s32 $0x9400;
	s24 =	sadd.s32 $0x60, s15  }
0x1e9: {  	[hbm4b:s24+s21] =	stream.strided.scatter [tilespmem:s16], [sflag:$0x2], $0x200, s30, s21, $0x38;
	[tilespmem:$0x18F00] =	vst v63  }
0x1ea: {  	s4 =	simm.s32 $0x8000;
	s6 =	simm.s32 $0x9600;
	s24 =	sadd.s32 $0x70, s15  }
.LBB2_16:
0x1eb: {  	[hbm4b:s24+s21] =	stream.strided.scatter [tilespmem:s6], [sflag:$0x2], $0x200, s30, s21, $0x38;
	[tilespmem:$0x18F00] =	vst v63  }
0x1ec: {  	s6 =	smov.u32 s0;
	s0 =	smov.u32 s4  }
0x1ed: {  	s16 =	sadd.s32 $0x4000, s4;
	s0 =	sshra.s32 s0, $0x2;
	s24 =	sadd.s32 $0x8800, s6  }
0x1ee: {  	[hbm4b:s31+s21] =	stream.strided.scatter [tilespmem:s24], [sflag:$0x2], $0x200, s30, s21, $0x38;
	[tilespmem:$0x18F00] =	vst v63  }
0x1ef: {  	p1 =	sne.s32 s4, $0x1C000;
	s4 =	sadd.s32 $0x8A00, s6;
	s24 =	sadd.s32 $0x10, s31  }
0x1f0: {  	[hbm4b:s24+s21] =	stream.strided.scatter [tilespmem:s4], [sflag:$0x2], $0x200, s30, s21, $0x38;
	[tilespmem:$0x18F00] =	vst v63  }
0x1f1: {  	s4 =	sadd.s32 $0x8C00, s6;
	s24 =	sadd.s32 $0x20, s31  }
0x1f2: {  	[hbm4b:s24+s21] =	stream.strided.scatter [tilespmem:s4], [sflag:$0x2], $0x200, s30, s21, $0x38;
	[tilespmem:$0x18F00] =	vst v63  }
0x1f3: {  	s4 =	sadd.s32 $0x8E00, s6;
	s24 =	sadd.s32 $0x30, s31  }
0x1f4: {  	[hbm4b:s24+s21] =	stream.strided.scatter [tilespmem:s4], [sflag:$0x2], $0x200, s30, s21, $0x38;
	[tilespmem:$0x18F00] =	vst v63  }
0x1f5: {  	s4 =	sadd.s32 $0x9000, s6;
	s24 =	sadd.s32 $0x40, s31  }
0x1f6: {  	[hbm4b:s24+s21] =	stream.strided.scatter [tilespmem:s4], [sflag:$0x2], $0x200, s30, s21, $0x38;
	[tilespmem:$0x18F00] =	vst v63  }
.Ltmp7:
0x1f7: {  	s4 =	sadd.s32 $0x9200, s6;
	s24 =	sadd.s32 $0x50, s31;
	(pc) =	sbr.rel @p1 .LBB2_16-.Ltmp7, $4  }
0x1f8: {  	[hbm4b:s24+s21] =	stream.strided.scatter [tilespmem:s4], [sflag:$0x2], $0x200, s30, s21, $0x38;
	[tilespmem:$0x18F00] =	vst v63  }
0x1f9: {  	s4 =	sadd.s32 $0x9400, s6;
	s24 =	sadd.s32 $0x60, s31;
	s6 =	sadd.s32 $0x9600, s6  }
0x1fa: {  	[hbm4b:s24+s21] =	stream.strided.scatter [tilespmem:s4], [sflag:$0x2], $0x200, s30, s21, $0x38;
	[tilespmem:$0x18F00] =	vst v63  }
0x1fb: {  	s24 =	sadd.s32 $0x70, s31;
	s31 =	sadd.s32 $0x200, s31;
	s4 =	smov.u32 s16  }
0x1fc: {  	[hbm4b:s24+s21] =	stream.strided.scatter [tilespmem:s6], [sflag:$0x2], $0x200, s30, s21, $0x38;
	[tilespmem:$0x18F00] =	vst v63  }
0x1fd: {  	s4 =	sadd.s32 $0x8800, s0  }
0x1fe: {  	[hbm4b:s31+s21] =	stream.strided.scatter [tilespmem:s4], [sflag:$0x2], $0x200, s30, s21, $0x38;
	[tilespmem:$0x18F00] =	vst v63  }
0x1ff: {  	s16 =	sadd.s32 $0x8A00, s0;
	s24 =	sadd.s32 $0x10, s31  }
0x200: {  	[hbm4b:s24+s21] =	stream.strided.scatter [tilespmem:s16], [sflag:$0x2], $0x200, s30, s21, $0x38;
	[tilespmem:$0x18F00] =	vst v63  }
0x201: {  	s16 =	sadd.s32 $0x8C00, s0;
	s24 =	sadd.s32 $0x20, s31  }
0x202: {  	[hbm4b:s24+s21] =	stream.strided.scatter [tilespmem:s16], [sflag:$0x2], $0x200, s30, s21, $0x38;
	[tilespmem:$0x18F00] =	vst v63  }
0x203: {  	s16 =	sadd.s32 $0x8E00, s0;
	s24 =	sadd.s32 $0x30, s31  }
0x204: {  	[hbm4b:s24+s21] =	stream.strided.scatter [tilespmem:s16], [sflag:$0x2], $0x200, s30, s21, $0x38;
	[tilespmem:$0x18F00] =	vst v63  }
0x205: {  	s16 =	sadd.s32 $0x9000, s0;
	s24 =	sadd.s32 $0x40, s31  }
0x206: {  	[hbm4b:s24+s21] =	stream.strided.scatter [tilespmem:s16], [sflag:$0x2], $0x200, s30, s21, $0x38;
	[tilespmem:$0x18F00] =	vst v63  }
0x207: {  	s16 =	sadd.s32 $0x9200, s0;
	s24 =	sadd.s32 $0x50, s31  }
0x208: {  	[hbm4b:s24+s21] =	stream.strided.scatter [tilespmem:s16], [sflag:$0x2], $0x200, s30, s21, $0x38;
	[tilespmem:$0x18F00] =	vst v63  }
0x209: {  	s16 =	sadd.s32 $0x9400, s0;
	s24 =	sadd.s32 $0x60, s31  }
0x20a: {  	[hbm4b:s24+s21] =	stream.strided.scatter [tilespmem:s16], [sflag:$0x2], $0x200, s30, s21, $0x38;
	[tilespmem:$0x18F00] =	vst v63  }
0x20b: {  	s16 =	sadd.s32 $0x9600, s0;
	s24 =	sadd.s32 $0x70, s31  }
0x20c: {  	[hbm4b:s24+s21] =	stream.strided.scatter [tilespmem:s16], [sflag:$0x2], $0x200, s30, s21, $0x38;
	[tilespmem:$0x18F00] =	vst v63  }
0x20d: {  	_ =	swait.ge [sflag:s3], $0x8000  }
0x20e: {  	[sflag:s3] =	ssyncset.done $0x0  }
0x20f: {  	[sflag:s3] =	ssyncadd.s32 $0xFFFF8000  }
0x210: {  	_ =	swait.ge [sflag:s3], $0x8000  }
0x211: {  	[sflag:s3] =	ssyncset.done $0x0  }
0x212: {  	[sflag:s3] =	ssyncadd.s32 $0xFFFF8000  }
0x213: {  	_ =	swait.ge [sflag:s3], $0x8000  }
0x214: {  	s26 =	sadd.s32 $0x1, s26;
	s31 =	rddreg [dreg:$0x8]  }
0x215: {  	p1 =	sne.s32 s26, s31  }
.Ltmp8:
0x216: {  	_ = 	snop;
	(pc) =	sbr.rel @p1 .LBB2_1-.Ltmp8, $3  }
0x217: {  	_ =	sdelay $0x1  }
0x218: {  	[sflag:s3] =	ssyncset.done $0x0  }
0x219: {  	[sflag:s3] =	ssyncadd.s32 $0xFFFF8000  }
0x21a: {  	_ =	sfence.sel $0x180000  }
0x21b: {  	[bflag:$0x0] =	sbarrier.arrive $0xFFFF  }
0x21c: {  	_ =	strace $0x90000047  }
0x21d: {  	[bflag:$0x2] =	sbarrier.arrive $0xFFFF  }
0x21e: {  	s0 =	rddreg [dreg:$0x7]  }
0x21f: {  	s0 =	sadd.s32 @!p0 $0x100000, s0  }
0x220: {  	[sflag:s0] =	ssyncadd.tile.s32 @!p0 $0x1;
	_ =	shalt  }
.Lfunc_end2:
_tile_overlayer_lowered:
.L_overlay_start_2:
0x221: {  	(tag) =	ssettag $0x2  }
0x222: {  	s0 =	rddreg [dreg:$0x0];
	s2 =	stileid.u32  }
0x223: {  	s1 =	rddreg [dreg:$0x1];
	p0 =	sne.s32 s2, $0x0  }
0x224: {  	s3 =	rddreg [dreg:$0x2];
	[bflag:$0x3] =	sbarrier.arrive $0xFFFF;
	s2 =	simm.s32 @!p0 $0x1C03  }
0x225: {  	[timem:s3], [sflag:s2] =	dma.local @!p0 [hbm:s0], s1  }
0x226: {  	s0 =	simm.s32 @!p0 $0x3  }
0x227: {  	_ =	swait.ge @!p0 [sflag:s0], s1  }
0x228: {  	s1 =	ssub.s32 @!p0 $0x0, s1;
	[sflag:s0] =	ssyncset.done @!p0 $0x0  }
0x229: {  	[sflag:s0] =	ssyncadd.s32 @!p0 s1  }
0x22a: {  	[bflag:$0x3] =	sbarrier.arrive $0xFFFF  }
0x22b: {  	_ =	shalt  }

</sc_bundles>
